<compile_context>
chip_gen: v7x
topology: tpu7x:2x2x1
jax: 0.10.2.dev20260603
libtpu: 0.0.44.dev20260713+nightly
codegen_flags: <defaults>
</compile_context>

<pallas_src>
import functools

import jax
import jax.numpy as jnp
from jax import lax
from jax.experimental import pallas as pl
from jax.experimental.pallas import tpu as pltpu
from jax.experimental.pallas import tpu_sc as plsc

jax.config.update('jax_enable_x64', True)

B = 16384
F = 26
NUM_BUCKETS = 10000
N = B * F

_info = plsc.get_sparse_core_info()
NC, NS, L = _info.num_cores, _info.num_subcores, _info.num_lanes
NW = NC * NS
CHUNK = N // NW
PERIOD = 8 * F
NVEC = PERIOD // L
assert CHUNK % PERIOD == 0 and CHUNK * NW == N


def _body(x_hbm, vid_hbm, x_v, vid_v):
    wid = lax.axis_index("s") * jnp.int32(NC) + lax.axis_index("c")
    base = wid * jnp.int32(CHUNK)
    pltpu.sync_copy(x_hbm.at[pl.ds(base, CHUNK)], x_v)

    lane = lax.iota(jnp.int32, L)
    recip = jnp.float32(1.0 / NUM_BUCKETS)
    zero_v = lane * jnp.int32(0)

    bases = []
    for v in range(NVEC):
        t = lane + jnp.int32((16 * v) % F)
        fld = lax.select(t >= jnp.int32(F), t - jnp.int32(F), t)
        bases.append(fld * jnp.int32(NUM_BUCKETS + 1) + jnp.int32(2))

    @plsc.parallel_loop(jnp.int32(0), jnp.int32(CHUNK), jnp.int32(PERIOD))
    def blk(k0):
        for v in range(NVEC):
            off = k0 + jnp.int32(v * L)
            raw = x_v[pl.ds(off, L)]
            q = (raw.astype(jnp.float32) * recip).astype(jnp.int32)
            r = raw - q * jnp.int32(NUM_BUCKETS)
            ok = raw > jnp.int32(0)
            vid_v[pl.ds(off, L)] = lax.select(ok, bases[v] + r, zero_v)

    pltpu.sync_copy(vid_v, vid_hbm.at[pl.ds(base, CHUNK)])


@jax.jit
def kernel(int_feats):
    run = functools.partial(
        pl.kernel,
        mesh=plsc.VectorSubcoreMesh(core_axis_name="c", subcore_axis_name="s"),
        out_type=[
            jax.ShapeDtypeStruct((N,), jnp.int32),
        ],
        scratch_types=[
            pltpu.VMEM((CHUNK,), jnp.int32),
            pltpu.VMEM((CHUNK,), jnp.int32),
        ],
    )(_body)
    x32 = int_feats.astype(jnp.int32).reshape(N)
    (vid32,) = run(x32)
    valid = (vid32 != 0).reshape(B, F)
    vids = vid32.astype(jnp.int64).reshape(B, F)
    return vids, valid

# --- scband reference (transcript-rebuilt; emitter-appended) ---
"""Pipeline reference for scband-feature-as-item-tokenizer-80350248173864 (READ-ONLY COPY).

The authoritative reference and input builder live on the scoring server;
editing this copy changes nothing except your own understanding.
"""

import jax, jax.numpy as jnp
import numpy as np
jax.config.update('jax_enable_x64', True)

NUM_FIELDS = 26
NUM_BUCKETS = 10000
BATCH = 16384
VOCAB = 100000


def setup_inputs(seed: int = 0) -> dict:
    key = jax.random.key(seed)
    int_feats = jax.random.randint(key, (BATCH, NUM_FIELDS), 0, VOCAB, dtype=jnp.int64)
    return {'int_feats': int_feats}


def reference(int_feats):
    # buffers derived from __init__: all 26 fields have length==1
    col_offsets = jnp.arange(NUM_FIELDS, dtype=jnp.int64)
    # cursor starts at 1; each field consumes num_buckets + 1 slots
    id_bases = 1 + jnp.arange(NUM_FIELDS, dtype=jnp.int64) * (NUM_BUCKETS + 1)
    raw = jnp.take(int_feats, col_offsets, axis=1)  # (B, num_feat_tokens) gather
    valid = raw > 0
    # num_buckets is not None branch
    bucket = jnp.clip(raw % NUM_BUCKETS + 1, 1, NUM_BUCKETS)
    vids = id_bases[None, :] + bucket
    vids = vids * valid.astype(jnp.int64)
    return vids, valid

if __name__ == "__main__":
    import jax
    _d = setup_inputs()
    print(jax.jit(kernel)(*tuple(_d.values())))

</pallas_src>

<mosaic_0001>
#map = affine_map<(d0, d1) -> (0)>
module attributes {stable_mosaic.version = 14 : i64} {
  func.func @_body(%arg0: i32, %arg1: i32, %arg2: memref<425984xi32, #tpu.memory_space<hbm>>, %arg3: memref<425984xi32, #tpu.memory_space<hbm>>, %arg4: memref<13312xi32, #tpu.memory_space<vmem>>, %arg5: memref<13312xi32, #tpu.memory_space<vmem>>) attributes {dimension_semantics = [#tpu.dimension_semantics<core_parallel>, #tpu.dimension_semantics<subcore_parallel>], iteration_bounds = array<i64: 2, 16>, scalar_prefetch = 0 : i64, scratch_operands = 2 : i64, tpu.core_type = #tpu.core_type<sc_vector_subcore>, window_params = [{transform_indices = #map}, {transform_indices = #map}]} {
    %mul3A = arith.constant 2 : i32
    %mul3A_0 = arith.muli %arg1, %mul3A : i32
    %add3A = arith.addi %mul3A_0, %arg0 : i32
    %mul3A_1 = arith.constant 13312 : i32
    %mul3A_2 = arith.muli %add3A, %mul3A_1 : i32
    "tpu.region"() ({
      %run_scoped3A = tpu.sem_alloc : memref<!tpu.dma_semaphore, #tpu.memory_space<semaphore_mem>>
      %dma_start3A = tpu.memref_slice %arg2[%mul3A_2] : memref<425984xi32, #tpu.memory_space<hbm>> -> memref<13312xi32, #tpu.memory_space<hbm>>
      %dma_start3A_214 = tpu.memref_slice %arg2[%mul3A_2] : memref<425984xi32, #tpu.memory_space<hbm>> -> memref<13312xi32, #tpu.memory_space<hbm>>
      tpu.enqueue_dma source(%dma_start3A_214 : memref<13312xi32, #tpu.memory_space<hbm>>) target(%arg4 : memref<13312xi32, #tpu.memory_space<vmem>>) target_semaphore(%run_scoped3A : memref<!tpu.dma_semaphore, #tpu.memory_space<semaphore_mem>>)
      %dma_wait3A = tpu.memref_slice %arg2[%mul3A_2] : memref<425984xi32, #tpu.memory_space<hbm>> -> memref<13312xi32, #tpu.memory_space<hbm>>
      %dma_wait3A_215 = tpu.memref_slice %arg2[%mul3A_2] : memref<425984xi32, #tpu.memory_space<hbm>> -> memref<13312xi32, #tpu.memory_space<hbm>>
      tpu.wait_dma2 semaphore(%run_scoped3A : memref<!tpu.dma_semaphore, #tpu.memory_space<semaphore_mem>>) src(%dma_wait3A_215 : memref<13312xi32, #tpu.memory_space<hbm>>) dst(%arg4 : memref<13312xi32, #tpu.memory_space<vmem>>)
      tpu.yield
    }) : () -> ()
    %iota3A = tpu.iota {dimensions = array<i32: 0>} : vector<16xi32>
    %mul3A_3 = arith.constant 0 : i32
    %mul3A_4 = vector.broadcast %mul3A_3 : i32 to vector<16xi32>
    %mul3A_5 = arith.muli %iota3A, %mul3A_4 : vector<16xi32>
    %add3A_6 = arith.constant 0 : i32
    %add3A_7 = vector.broadcast %add3A_6 : i32 to vector<16xi32>
    %add3A_8 = arith.addi %iota3A, %add3A_7 : vector<16xi32>
    %ge3A = arith.constant 26 : i32
    %ge3A_9 = vector.broadcast %ge3A : i32 to vector<16xi32>
    %ge3A_10 = arith.cmpi sge, %add3A_8, %ge3A_9 : vector<16xi32>
    %sub3A = arith.constant 26 : i32
    %sub3A_11 = vector.broadcast %sub3A : i32 to vector<16xi32>
    %sub3A_12 = arith.subi %add3A_8, %sub3A_11 : vector<16xi32>
    %select_n3A = arith.select %ge3A_10, %sub3A_12, %add3A_8 : vector<16xi1>, vector<16xi32>
    %mul3A_13 = arith.constant 10001 : i32
    %mul3A_14 = vector.broadcast %mul3A_13 : i32 to vector<16xi32>
    %mul3A_15 = arith.muli %select_n3A, %mul3A_14 : vector<16xi32>
    %add3A_16 = arith.constant 2 : i32
    %add3A_17 = vector.broadcast %add3A_16 : i32 to vector<16xi32>
    %add3A_18 = arith.addi %mul3A_15, %add3A_17 : vector<16xi32>
    %add3A_19 = arith.constant 16 : i32
    %add3A_20 = vector.broadcast %add3A_19 : i32 to vector<16xi32>
    %add3A_21 = arith.addi %iota3A, %add3A_20 : vector<16xi32>
    %ge3A_22 = arith.constant 26 : i32
    %ge3A_23 = vector.broadcast %ge3A_22 : i32 to vector<16xi32>
    %ge3A_24 = arith.cmpi sge, %add3A_21, %ge3A_23 : vector<16xi32>
    %sub3A_25 = arith.constant 26 : i32
    %sub3A_26 = vector.broadcast %sub3A_25 : i32 to vector<16xi32>
    %sub3A_27 = arith.subi %add3A_21, %sub3A_26 : vector<16xi32>
    %select_n3A_28 = arith.select %ge3A_24, %sub3A_27, %add3A_21 : vector<16xi1>, vector<16xi32>
    %mul3A_29 = arith.constant 10001 : i32
    %mul3A_30 = vector.broadcast %mul3A_29 : i32 to vector<16xi32>
    %mul3A_31 = arith.muli %select_n3A_28, %mul3A_30 : vector<16xi32>
    %add3A_32 = arith.constant 2 : i32
    %add3A_33 = vector.broadcast %add3A_32 : i32 to vector<16xi32>
    %add3A_34 = arith.addi %mul3A_31, %add3A_33 : vector<16xi32>
    %add3A_35 = arith.constant 6 : i32
    %add3A_36 = vector.broadcast %add3A_35 : i32 to vector<16xi32>
    %add3A_37 = arith.addi %iota3A, %add3A_36 : vector<16xi32>
    %ge3A_38 = arith.constant 26 : i32
    %ge3A_39 = vector.broadcast %ge3A_38 : i32 to vector<16xi32>
    %ge3A_40 = arith.cmpi sge, %add3A_37, %ge3A_39 : vector<16xi32>
    %sub3A_41 = arith.constant 26 : i32
    %sub3A_42 = vector.broadcast %sub3A_41 : i32 to vector<16xi32>
    %sub3A_43 = arith.subi %add3A_37, %sub3A_42 : vector<16xi32>
    %select_n3A_44 = arith.select %ge3A_40, %sub3A_43, %add3A_37 : vector<16xi1>, vector<16xi32>
    %mul3A_45 = arith.constant 10001 : i32
    %mul3A_46 = vector.broadcast %mul3A_45 : i32 to vector<16xi32>
    %mul3A_47 = arith.muli %select_n3A_44, %mul3A_46 : vector<16xi32>
    %add3A_48 = arith.constant 2 : i32
    %add3A_49 = vector.broadcast %add3A_48 : i32 to vector<16xi32>
    %add3A_50 = arith.addi %mul3A_47, %add3A_49 : vector<16xi32>
    %add3A_51 = arith.constant 22 : i32
    %add3A_52 = vector.broadcast %add3A_51 : i32 to vector<16xi32>
    %add3A_53 = arith.addi %iota3A, %add3A_52 : vector<16xi32>
    %ge3A_54 = arith.constant 26 : i32
    %ge3A_55 = vector.broadcast %ge3A_54 : i32 to vector<16xi32>
    %ge3A_56 = arith.cmpi sge, %add3A_53, %ge3A_55 : vector<16xi32>
    %sub3A_57 = arith.constant 26 : i32
    %sub3A_58 = vector.broadcast %sub3A_57 : i32 to vector<16xi32>
    %sub3A_59 = arith.subi %add3A_53, %sub3A_58 : vector<16xi32>
    %select_n3A_60 = arith.select %ge3A_56, %sub3A_59, %add3A_53 : vector<16xi1>, vector<16xi32>
    %mul3A_61 = arith.constant 10001 : i32
    %mul3A_62 = vector.broadcast %mul3A_61 : i32 to vector<16xi32>
    %mul3A_63 = arith.muli %select_n3A_60, %mul3A_62 : vector<16xi32>
    %add3A_64 = arith.constant 2 : i32
    %add3A_65 = vector.broadcast %add3A_64 : i32 to vector<16xi32>
    %add3A_66 = arith.addi %mul3A_63, %add3A_65 : vector<16xi32>
    %add3A_67 = arith.constant 12 : i32
    %add3A_68 = vector.broadcast %add3A_67 : i32 to vector<16xi32>
    %add3A_69 = arith.addi %iota3A, %add3A_68 : vector<16xi32>
    %ge3A_70 = arith.constant 26 : i32
    %ge3A_71 = vector.broadcast %ge3A_70 : i32 to vector<16xi32>
    %ge3A_72 = arith.cmpi sge, %add3A_69, %ge3A_71 : vector<16xi32>
    %sub3A_73 = arith.constant 26 : i32
    %sub3A_74 = vector.broadcast %sub3A_73 : i32 to vector<16xi32>
    %sub3A_75 = arith.subi %add3A_69, %sub3A_74 : vector<16xi32>
    %select_n3A_76 = arith.select %ge3A_72, %sub3A_75, %add3A_69 : vector<16xi1>, vector<16xi32>
    %mul3A_77 = arith.constant 10001 : i32
    %mul3A_78 = vector.broadcast %mul3A_77 : i32 to vector<16xi32>
    %mul3A_79 = arith.muli %select_n3A_76, %mul3A_78 : vector<16xi32>
    %add3A_80 = arith.constant 2 : i32
    %add3A_81 = vector.broadcast %add3A_80 : i32 to vector<16xi32>
    %add3A_82 = arith.addi %mul3A_79, %add3A_81 : vector<16xi32>
    %add3A_83 = arith.constant 2 : i32
    %add3A_84 = vector.broadcast %add3A_83 : i32 to vector<16xi32>
    %add3A_85 = arith.addi %iota3A, %add3A_84 : vector<16xi32>
    %ge3A_86 = arith.constant 26 : i32
    %ge3A_87 = vector.broadcast %ge3A_86 : i32 to vector<16xi32>
    %ge3A_88 = arith.cmpi sge, %add3A_85, %ge3A_87 : vector<16xi32>
    %sub3A_89 = arith.constant 26 : i32
    %sub3A_90 = vector.broadcast %sub3A_89 : i32 to vector<16xi32>
    %sub3A_91 = arith.subi %add3A_85, %sub3A_90 : vector<16xi32>
    %select_n3A_92 = arith.select %ge3A_88, %sub3A_91, %add3A_85 : vector<16xi1>, vector<16xi32>
    %mul3A_93 = arith.constant 10001 : i32
    %mul3A_94 = vector.broadcast %mul3A_93 : i32 to vector<16xi32>
    %mul3A_95 = arith.muli %select_n3A_92, %mul3A_94 : vector<16xi32>
    %add3A_96 = arith.constant 2 : i32
    %add3A_97 = vector.broadcast %add3A_96 : i32 to vector<16xi32>
    %add3A_98 = arith.addi %mul3A_95, %add3A_97 : vector<16xi32>
    %add3A_99 = arith.constant 18 : i32
    %add3A_100 = vector.broadcast %add3A_99 : i32 to vector<16xi32>
    %add3A_101 = arith.addi %iota3A, %add3A_100 : vector<16xi32>
    %ge3A_102 = arith.constant 26 : i32
    %ge3A_103 = vector.broadcast %ge3A_102 : i32 to vector<16xi32>
    %ge3A_104 = arith.cmpi sge, %add3A_101, %ge3A_103 : vector<16xi32>
    %sub3A_105 = arith.constant 26 : i32
    %sub3A_106 = vector.broadcast %sub3A_105 : i32 to vector<16xi32>
    %sub3A_107 = arith.subi %add3A_101, %sub3A_106 : vector<16xi32>
    %select_n3A_108 = arith.select %ge3A_104, %sub3A_107, %add3A_101 : vector<16xi1>, vector<16xi32>
    %mul3A_109 = arith.constant 10001 : i32
    %mul3A_110 = vector.broadcast %mul3A_109 : i32 to vector<16xi32>
    %mul3A_111 = arith.muli %select_n3A_108, %mul3A_110 : vector<16xi32>
    %add3A_112 = arith.constant 2 : i32
    %add3A_113 = vector.broadcast %add3A_112 : i32 to vector<16xi32>
    %add3A_114 = arith.addi %mul3A_111, %add3A_113 : vector<16xi32>
    %add3A_115 = arith.constant 8 : i32
    %add3A_116 = vector.broadcast %add3A_115 : i32 to vector<16xi32>
    %add3A_117 = arith.addi %iota3A, %add3A_116 : vector<16xi32>
    %ge3A_118 = arith.constant 26 : i32
    %ge3A_119 = vector.broadcast %ge3A_118 : i32 to vector<16xi32>
    %ge3A_120 = arith.cmpi sge, %add3A_117, %ge3A_119 : vector<16xi32>
    %sub3A_121 = arith.constant 26 : i32
    %sub3A_122 = vector.broadcast %sub3A_121 : i32 to vector<16xi32>
    %sub3A_123 = arith.subi %add3A_117, %sub3A_122 : vector<16xi32>
    %select_n3A_124 = arith.select %ge3A_120, %sub3A_123, %add3A_117 : vector<16xi1>, vector<16xi32>
    %mul3A_125 = arith.constant 10001 : i32
    %mul3A_126 = vector.broadcast %mul3A_125 : i32 to vector<16xi32>
    %mul3A_127 = arith.muli %select_n3A_124, %mul3A_126 : vector<16xi32>
    %add3A_128 = arith.constant 2 : i32
    %add3A_129 = vector.broadcast %add3A_128 : i32 to vector<16xi32>
    %add3A_130 = arith.addi %mul3A_127, %add3A_129 : vector<16xi32>
    %add3A_131 = arith.constant 24 : i32
    %add3A_132 = vector.broadcast %add3A_131 : i32 to vector<16xi32>
    %add3A_133 = arith.addi %iota3A, %add3A_132 : vector<16xi32>
    %ge3A_134 = arith.constant 26 : i32
    %ge3A_135 = vector.broadcast %ge3A_134 : i32 to vector<16xi32>
    %ge3A_136 = arith.cmpi sge, %add3A_133, %ge3A_135 : vector<16xi32>
    %sub3A_137 = arith.constant 26 : i32
    %sub3A_138 = vector.broadcast %sub3A_137 : i32 to vector<16xi32>
    %sub3A_139 = arith.subi %add3A_133, %sub3A_138 : vector<16xi32>
    %select_n3A_140 = arith.select %ge3A_136, %sub3A_139, %add3A_133 : vector<16xi1>, vector<16xi32>
    %mul3A_141 = arith.constant 10001 : i32
    %mul3A_142 = vector.broadcast %mul3A_141 : i32 to vector<16xi32>
    %mul3A_143 = arith.muli %select_n3A_140, %mul3A_142 : vector<16xi32>
    %add3A_144 = arith.constant 2 : i32
    %add3A_145 = vector.broadcast %add3A_144 : i32 to vector<16xi32>
    %add3A_146 = arith.addi %mul3A_143, %add3A_145 : vector<16xi32>
    %add3A_147 = arith.constant 14 : i32
    %add3A_148 = vector.broadcast %add3A_147 : i32 to vector<16xi32>
    %add3A_149 = arith.addi %iota3A, %add3A_148 : vector<16xi32>
    %ge3A_150 = arith.constant 26 : i32
    %ge3A_151 = vector.broadcast %ge3A_150 : i32 to vector<16xi32>
    %ge3A_152 = arith.cmpi sge, %add3A_149, %ge3A_151 : vector<16xi32>
    %sub3A_153 = arith.constant 26 : i32
    %sub3A_154 = vector.broadcast %sub3A_153 : i32 to vector<16xi32>
    %sub3A_155 = arith.subi %add3A_149, %sub3A_154 : vector<16xi32>
    %select_n3A_156 = arith.select %ge3A_152, %sub3A_155, %add3A_149 : vector<16xi1>, vector<16xi32>
    %mul3A_157 = arith.constant 10001 : i32
    %mul3A_158 = vector.broadcast %mul3A_157 : i32 to vector<16xi32>
    %mul3A_159 = arith.muli %select_n3A_156, %mul3A_158 : vector<16xi32>
    %add3A_160 = arith.constant 2 : i32
    %add3A_161 = vector.broadcast %add3A_160 : i32 to vector<16xi32>
    %add3A_162 = arith.addi %mul3A_159, %add3A_161 : vector<16xi32>
    %add3A_163 = arith.constant 4 : i32
    %add3A_164 = vector.broadcast %add3A_163 : i32 to vector<16xi32>
    %add3A_165 = arith.addi %iota3A, %add3A_164 : vector<16xi32>
    %ge3A_166 = arith.constant 26 : i32
    %ge3A_167 = vector.broadcast %ge3A_166 : i32 to vector<16xi32>
    %ge3A_168 = arith.cmpi sge, %add3A_165, %ge3A_167 : vector<16xi32>
    %sub3A_169 = arith.constant 26 : i32
    %sub3A_170 = vector.broadcast %sub3A_169 : i32 to vector<16xi32>
    %sub3A_171 = arith.subi %add3A_165, %sub3A_170 : vector<16xi32>
    %select_n3A_172 = arith.select %ge3A_168, %sub3A_171, %add3A_165 : vector<16xi1>, vector<16xi32>
    %mul3A_173 = arith.constant 10001 : i32
    %mul3A_174 = vector.broadcast %mul3A_173 : i32 to vector<16xi32>
    %mul3A_175 = arith.muli %select_n3A_172, %mul3A_174 : vector<16xi32>
    %add3A_176 = arith.constant 2 : i32
    %add3A_177 = vector.broadcast %add3A_176 : i32 to vector<16xi32>
    %add3A_178 = arith.addi %mul3A_175, %add3A_177 : vector<16xi32>
    %add3A_179 = arith.constant 20 : i32
    %add3A_180 = vector.broadcast %add3A_179 : i32 to vector<16xi32>
    %add3A_181 = arith.addi %iota3A, %add3A_180 : vector<16xi32>
    %ge3A_182 = arith.constant 26 : i32
    %ge3A_183 = vector.broadcast %ge3A_182 : i32 to vector<16xi32>
    %ge3A_184 = arith.cmpi sge, %add3A_181, %ge3A_183 : vector<16xi32>
    %sub3A_185 = arith.constant 26 : i32
    %sub3A_186 = vector.broadcast %sub3A_185 : i32 to vector<16xi32>
    %sub3A_187 = arith.subi %add3A_181, %sub3A_186 : vector<16xi32>
    %select_n3A_188 = arith.select %ge3A_184, %sub3A_187, %add3A_181 : vector<16xi1>, vector<16xi32>
    %mul3A_189 = arith.constant 10001 : i32
    %mul3A_190 = vector.broadcast %mul3A_189 : i32 to vector<16xi32>
    %mul3A_191 = arith.muli %select_n3A_188, %mul3A_190 : vector<16xi32>
    %add3A_192 = arith.constant 2 : i32
    %add3A_193 = vector.broadcast %add3A_192 : i32 to vector<16xi32>
    %add3A_194 = arith.addi %mul3A_191, %add3A_193 : vector<16xi32>
    %add3A_195 = arith.constant 10 : i32
    %add3A_196 = vector.broadcast %add3A_195 : i32 to vector<16xi32>
    %add3A_197 = arith.addi %iota3A, %add3A_196 : vector<16xi32>
    %ge3A_198 = arith.constant 26 : i32
    %ge3A_199 = vector.broadcast %ge3A_198 : i32 to vector<16xi32>
    %ge3A_200 = arith.cmpi sge, %add3A_197, %ge3A_199 : vector<16xi32>
    %sub3A_201 = arith.constant 26 : i32
    %sub3A_202 = vector.broadcast %sub3A_201 : i32 to vector<16xi32>
    %sub3A_203 = arith.subi %add3A_197, %sub3A_202 : vector<16xi32>
    %select_n3A_204 = arith.select %ge3A_200, %sub3A_203, %add3A_197 : vector<16xi1>, vector<16xi32>
    %mul3A_205 = arith.constant 10001 : i32
    %mul3A_206 = vector.broadcast %mul3A_205 : i32 to vector<16xi32>
    %mul3A_207 = arith.muli %select_n3A_204, %mul3A_206 : vector<16xi32>
    %add3A_208 = arith.constant 2 : i32
    %add3A_209 = vector.broadcast %add3A_208 : i32 to vector<16xi32>
    %add3A_210 = arith.addi %mul3A_207, %add3A_209 : vector<16xi32>
    %parallel_loop3A = arith.constant 0 : i32
    %parallel_loop3A_211 = arith.constant 13312 : i32
    %parallel_loop3A_212 = arith.constant 208 : i32
    %parallel_loop3A_213 = arith.constant 9.99999974E-5 : f32
    scf.for %parallel_loop3A_214 = %parallel_loop3A to %parallel_loop3A_211 step %parallel_loop3A_212  : i32 {
      %parallel_loop3A_215 = arith.constant 0 : i32
      %parallel_loop3A_216 = arith.addi %parallel_loop3A_214, %parallel_loop3A_215 : i32
      %parallel_loop3A_217 = arith.index_cast %parallel_loop3A_216 : i32 to index
      %parallel_loop3A_218 = tpu.vector_load %arg4[%parallel_loop3A_217] {strides = array<i32>} : memref<13312xi32, #tpu.memory_space<vmem>>, vector<16xi32>,
      %parallel_loop3A_219 = vector.shape_cast %parallel_loop3A_218 : vector<16xi32> to vector<16xi32>
      %parallel_loop3A_220 = arith.sitofp %parallel_loop3A_219 : vector<16xi32> to vector<16xf32>
      %parallel_loop3A_221 = vector.broadcast %parallel_loop3A_213 : f32 to vector<16xf32>
      %parallel_loop3A_222 = arith.mulf %parallel_loop3A_220, %parallel_loop3A_221 : vector<16xf32>
      %parallel_loop3A_223 = arith.fptosi %parallel_loop3A_222 : vector<16xf32> to vector<16xi32>
      %parallel_loop3A_224 = arith.constant 10000 : i32
      %parallel_loop3A_225 = vector.broadcast %parallel_loop3A_224 : i32 to vector<16xi32>
      %parallel_loop3A_226 = arith.muli %parallel_loop3A_223, %parallel_loop3A_225 : vector<16xi32>
      %parallel_loop3A_227 = arith.subi %parallel_loop3A_219, %parallel_loop3A_226 : vector<16xi32>
      %parallel_loop3A_228 = arith.constant 0 : i32
      %parallel_loop3A_229 = vector.broadcast %parallel_loop3A_228 : i32 to vector<16xi32>
      %parallel_loop3A_230 = arith.cmpi sgt, %parallel_loop3A_219, %parallel_loop3A_229 : vector<16xi32>
      %parallel_loop3A_231 = arith.addi %add3A_18, %parallel_loop3A_227 : vector<16xi32>
      %parallel_loop3A_232 = arith.select %parallel_loop3A_230, %parallel_loop3A_231, %mul3A_5 : vector<16xi1>, vector<16xi32>
      %parallel_loop3A_233 = arith.index_cast %parallel_loop3A_216 : i32 to index
      %parallel_loop3A_234 = tpu.vector_load %arg5[%parallel_loop3A_233] {strides = array<i32>} : memref<13312xi32, #tpu.memory_space<vmem>>, vector<16xi32>,
      %parallel_loop3A_235 = vector.shape_cast %parallel_loop3A_234 : vector<16xi32> to vector<16xi32>
      %parallel_loop3A_236 = vector.shape_cast %parallel_loop3A_232 : vector<16xi32> to vector<16xi32>
      tpu.vector_store %arg5[%parallel_loop3A_233], %parallel_loop3A_236 {strides = array<i32>} : memref<13312xi32, #tpu.memory_space<vmem>>, vector<16xi32>,
      %parallel_loop3A_237 = arith.constant 16 : i32
      %parallel_loop3A_238 = arith.addi %parallel_loop3A_214, %parallel_loop3A_237 : i32
      %parallel_loop3A_239 = arith.index_cast %parallel_loop3A_238 : i32 to index
      %parallel_loop3A_240 = tpu.vector_load %arg4[%parallel_loop3A_239] {strides = array<i32>} : memref<13312xi32, #tpu.memory_space<vmem>>, vector<16xi32>,
      %parallel_loop3A_241 = vector.shape_cast %parallel_loop3A_240 : vector<16xi32> to vector<16xi32>
      %parallel_loop3A_242 = arith.sitofp %parallel_loop3A_241 : vector<16xi32> to vector<16xf32>
      %parallel_loop3A_243 = vector.broadcast %parallel_loop3A_213 : f32 to vector<16xf32>
      %parallel_loop3A_244 = arith.mulf %parallel_loop3A_242, %parallel_loop3A_243 : vector<16xf32>
      %parallel_loop3A_245 = arith.fptosi %parallel_loop3A_244 : vector<16xf32> to vector<16xi32>
      %parallel_loop3A_246 = arith.constant 10000 : i32
      %parallel_loop3A_247 = vector.broadcast %parallel_loop3A_246 : i32 to vector<16xi32>
      %parallel_loop3A_248 = arith.muli %parallel_loop3A_245, %parallel_loop3A_247 : vector<16xi32>
      %parallel_loop3A_249 = arith.subi %parallel_loop3A_241, %parallel_loop3A_248 : vector<16xi32>
      %parallel_loop3A_250 = arith.constant 0 : i32
      %parallel_loop3A_251 = vector.broadcast %parallel_loop3A_250 : i32 to vector<16xi32>
      %parallel_loop3A_252 = arith.cmpi sgt, %parallel_loop3A_241, %parallel_loop3A_251 : vector<16xi32>
      %parallel_loop3A_253 = arith.addi %add3A_34, %parallel_loop3A_249 : vector<16xi32>
      %parallel_loop3A_254 = arith.select %parallel_loop3A_252, %parallel_loop3A_253, %mul3A_5 : vector<16xi1>, vector<16xi32>
      %parallel_loop3A_255 = arith.index_cast %parallel_loop3A_238 : i32 to index
      %parallel_loop3A_256 = tpu.vector_load %arg5[%parallel_loop3A_255] {strides = array<i32>} : memref<13312xi32, #tpu.memory_space<vmem>>, vector<16xi32>,
      %parallel_loop3A_257 = vector.shape_cast %parallel_loop3A_256 : vector<16xi32> to vector<16xi32>
      %parallel_loop3A_258 = vector.shape_cast %parallel_loop3A_254 : vector<16xi32> to vector<16xi32>
      tpu.vector_store %arg5[%parallel_loop3A_255], %parallel_loop3A_258 {strides = array<i32>} : memref<13312xi32, #tpu.memory_space<vmem>>, vector<16xi32>,
      %parallel_loop3A_259 = arith.constant 32 : i32
      %parallel_loop3A_260 = arith.addi %parallel_loop3A_214, %parallel_loop3A_259 : i32
      %parallel_loop3A_261 = arith.index_cast %parallel_loop3A_260 : i32 to index
      %parallel_loop3A_262 = tpu.vector_load %arg4[%parallel_loop3A_261] {strides = array<i32>} : memref<13312xi32, #tpu.memory_space<vmem>>, vector<16xi32>,
      %parallel_loop3A_263 = vector.shape_cast %parallel_loop3A_262 : vector<16xi32> to vector<16xi32>
      %parallel_loop3A_264 = arith.sitofp %parallel_loop3A_263 : vector<16xi32> to vector<16xf32>
      %parallel_loop3A_265 = vector.broadcast %parallel_loop3A_213 : f32 to vector<16xf32>
      %parallel_loop3A_266 = arith.mulf %parallel_loop3A_264, %parallel_loop3A_265 : vector<16xf32>
      %parallel_loop3A_267 = arith.fptosi %parallel_loop3A_266 : vector<16xf32> to vector<16xi32>
      %parallel_loop3A_268 = arith.constant 10000 : i32
      %parallel_loop3A_269 = vector.broadcast %parallel_loop3A_268 : i32 to vector<16xi32>
      %parallel_loop3A_270 = arith.muli %parallel_loop3A_267, %parallel_loop3A_269 : vector<16xi32>
      %parallel_loop3A_271 = arith.subi %parallel_loop3A_263, %parallel_loop3A_270 : vector<16xi32>
      %parallel_loop3A_272 = arith.constant 0 : i32
      %parallel_loop3A_273 = vector.broadcast %parallel_loop3A_272 : i32 to vector<16xi32>
      %parallel_loop3A_274 = arith.cmpi sgt, %parallel_loop3A_263, %parallel_loop3A_273 : vector<16xi32>
      %parallel_loop3A_275 = arith.addi %add3A_50, %parallel_loop3A_271 : vector<16xi32>
      %parallel_loop3A_276 = arith.select %parallel_loop3A_274, %parallel_loop3A_275, %mul3A_5 : vector<16xi1>, vector<16xi32>
      %parallel_loop3A_277 = arith.index_cast %parallel_loop3A_260 : i32 to index
      %parallel_loop3A_278 = tpu.vector_load %arg5[%parallel_loop3A_277] {strides = array<i32>} : memref<13312xi32, #tpu.memory_space<vmem>>, vector<16xi32>,
      %parallel_loop3A_279 = vector.shape_cast %parallel_loop3A_278 : vector<16xi32> to vector<16xi32>
      %parallel_loop3A_280 = vector.shape_cast %parallel_loop3A_276 : vector<16xi32> to vector<16xi32>
      tpu.vector_store %arg5[%parallel_loop3A_277], %parallel_loop3A_280 {strides = array<i32>} : memref<13312xi32, #tpu.memory_space<vmem>>, vector<16xi32>,
      %parallel_loop3A_281 = arith.constant 48 : i32
      %parallel_loop3A_282 = arith.addi %parallel_loop3A_214, %parallel_loop3A_281 : i32
      %parallel_loop3A_283 = arith.index_cast %parallel_loop3A_282 : i32 to index
      %parallel_loop3A_284 = tpu.vector_load %arg4[%parallel_loop3A_283] {strides = array<i32>} : memref<13312xi32, #tpu.memory_space<vmem>>, vector<16xi32>,
      %parallel_loop3A_285 = vector.shape_cast %parallel_loop3A_284 : vector<16xi32> to vector<16xi32>
      %parallel_loop3A_286 = arith.sitofp %parallel_loop3A_285 : vector<16xi32> to vector<16xf32>
      %parallel_loop3A_287 = vector.broadcast %parallel_loop3A_213 : f32 to vector<16xf32>
      %parallel_loop3A_288 = arith.mulf %parallel_loop3A_286, %parallel_loop3A_287 : vector<16xf32>
      %parallel_loop3A_289 = arith.fptosi %parallel_loop3A_288 : vector<16xf32> to vector<16xi32>
      %parallel_loop3A_290 = arith.constant 10000 : i32
      %parallel_loop3A_291 = vector.broadcast %parallel_loop3A_290 : i32 to vector<16xi32>
      %parallel_loop3A_292 = arith.muli %parallel_loop3A_289, %parallel_loop3A_291 : vector<16xi32>
      %parallel_loop3A_293 = arith.subi %parallel_loop3A_285, %parallel_loop3A_292 : vector<16xi32>
      %parallel_loop3A_294 = arith.constant 0 : i32
      %parallel_loop3A_295 = vector.broadcast %parallel_loop3A_294 : i32 to vector<16xi32>
      %parallel_loop3A_296 = arith.cmpi sgt, %parallel_loop3A_285, %parallel_loop3A_295 : vector<16xi32>
      %parallel_loop3A_297 = arith.addi %add3A_66, %parallel_loop3A_293 : vector<16xi32>
      %parallel_loop3A_298 = arith.select %parallel_loop3A_296, %parallel_loop3A_297, %mul3A_5 : vector<16xi1>, vector<16xi32>
      %parallel_loop3A_299 = arith.index_cast %parallel_loop3A_282 : i32 to index
      %parallel_loop3A_300 = tpu.vector_load %arg5[%parallel_loop3A_299] {strides = array<i32>} : memref<13312xi32, #tpu.memory_space<vmem>>, vector<16xi32>,
      %parallel_loop3A_301 = vector.shape_cast %parallel_loop3A_300 : vector<16xi32> to vector<16xi32>
      %parallel_loop3A_302 = vector.shape_cast %parallel_loop3A_298 : vector<16xi32> to vector<16xi32>
      tpu.vector_store %arg5[%parallel_loop3A_299], %parallel_loop3A_302 {strides = array<i32>} : memref<13312xi32, #tpu.memory_space<vmem>>, vector<16xi32>,
      %parallel_loop3A_303 = arith.constant 64 : i32
      %parallel_loop3A_304 = arith.addi %parallel_loop3A_214, %parallel_loop3A_303 : i32
      %parallel_loop3A_305 = arith.index_cast %parallel_loop3A_304 : i32 to index
      %parallel_loop3A_306 = tpu.vector_load %arg4[%parallel_loop3A_305] {strides = array<i32>} : memref<13312xi32, #tpu.memory_space<vmem>>, vector<16xi32>,
      %parallel_loop3A_307 = vector.shape_cast %parallel_loop3A_306 : vector<16xi32> to vector<16xi32>
      %parallel_loop3A_308 = arith.sitofp %parallel_loop3A_307 : vector<16xi32> to vector<16xf32>
      %parallel_loop3A_309 = vector.broadcast %parallel_loop3A_213 : f32 to vector<16xf32>
      %parallel_loop3A_310 = arith.mulf %parallel_loop3A_308, %parallel_loop3A_309 : vector<16xf32>
      %parallel_loop3A_311 = arith.fptosi %parallel_loop3A_310 : vector<16xf32> to vector<16xi32>
      %parallel_loop3A_312 = arith.constant 10000 : i32
      %parallel_loop3A_313 = vector.broadcast %parallel_loop3A_312 : i32 to vector<16xi32>
      %parallel_loop3A_314 = arith.muli %parallel_loop3A_311, %parallel_loop3A_313 : vector<16xi32>
      %parallel_loop3A_315 = arith.subi %parallel_loop3A_307, %parallel_loop3A_314 : vector<16xi32>
      %parallel_loop3A_316 = arith.constant 0 : i32
      %parallel_loop3A_317 = vector.broadcast %parallel_loop3A_316 : i32 to vector<16xi32>
      %parallel_loop3A_318 = arith.cmpi sgt, %parallel_loop3A_307, %parallel_loop3A_317 : vector<16xi32>
      %parallel_loop3A_319 = arith.addi %add3A_82, %parallel_loop3A_315 : vector<16xi32>
      %parallel_loop3A_320 = arith.select %parallel_loop3A_318, %parallel_loop3A_319, %mul3A_5 : vector<16xi1>, vector<16xi32>
      %parallel_loop3A_321 = arith.index_cast %parallel_loop3A_304 : i32 to index
      %parallel_loop3A_322 = tpu.vector_load %arg5[%parallel_loop3A_321] {strides = array<i32>} : memref<13312xi32, #tpu.memory_space<vmem>>, vector<16xi32>,
      %parallel_loop3A_323 = vector.shape_cast %parallel_loop3A_322 : vector<16xi32> to vector<16xi32>
      %parallel_loop3A_324 = vector.shape_cast %parallel_loop3A_320 : vector<16xi32> to vector<16xi32>
      tpu.vector_store %arg5[%parallel_loop3A_321], %parallel_loop3A_324 {strides = array<i32>} : memref<13312xi32, #tpu.memory_space<vmem>>, vector<16xi32>,
      %parallel_loop3A_325 = arith.constant 80 : i32
      %parallel_loop3A_326 = arith.addi %parallel_loop3A_214, %parallel_loop3A_325 : i32
      %parallel_loop3A_327 = arith.index_cast %parallel_loop3A_326 : i32 to index
      %parallel_loop3A_328 = tpu.vector_load %arg4[%parallel_loop3A_327] {strides = array<i32>} : memref<13312xi32, #tpu.memory_space<vmem>>, vector<16xi32>,
      %parallel_loop3A_329 = vector.shape_cast %parallel_loop3A_328 : vector<16xi32> to vector<16xi32>
      %parallel_loop3A_330 = arith.sitofp %parallel_loop3A_329 : vector<16xi32> to vector<16xf32>
      %parallel_loop3A_331 = vector.broadcast %parallel_loop3A_213 : f32 to vector<16xf32>
      %parallel_loop3A_332 = arith.mulf %parallel_loop3A_330, %parallel_loop3A_331 : vector<16xf32>
      %parallel_loop3A_333 = arith.fptosi %parallel_loop3A_332 : vector<16xf32> to vector<16xi32>
      %parallel_loop3A_334 = arith.constant 10000 : i32
      %parallel_loop3A_335 = vector.broadcast %parallel_loop3A_334 : i32 to vector<16xi32>
      %parallel_loop3A_336 = arith.muli %parallel_loop3A_333, %parallel_loop3A_335 : vector<16xi32>
      %parallel_loop3A_337 = arith.subi %parallel_loop3A_329, %parallel_loop3A_336 : vector<16xi32>
      %parallel_loop3A_338 = arith.constant 0 : i32
      %parallel_loop3A_339 = vector.broadcast %parallel_loop3A_338 : i32 to vector<16xi32>
      %parallel_loop3A_340 = arith.cmpi sgt, %parallel_loop3A_329, %parallel_loop3A_339 : vector<16xi32>
      %parallel_loop3A_341 = arith.addi %add3A_98, %parallel_loop3A_337 : vector<16xi32>
      %parallel_loop3A_342 = arith.select %parallel_loop3A_340, %parallel_loop3A_341, %mul3A_5 : vector<16xi1>, vector<16xi32>
      %parallel_loop3A_343 = arith.index_cast %parallel_loop3A_326 : i32 to index
      %parallel_loop3A_344 = tpu.vector_load %arg5[%parallel_loop3A_343] {strides = array<i32>} : memref<13312xi32, #tpu.memory_space<vmem>>, vector<16xi32>,
      %parallel_loop3A_345 = vector.shape_cast %parallel_loop3A_344 : vector<16xi32> to vector<16xi32>
      %parallel_loop3A_346 = vector.shape_cast %parallel_loop3A_342 : vector<16xi32> to vector<16xi32>
      tpu.vector_store %arg5[%parallel_loop3A_343], %parallel_loop3A_346 {strides = array<i32>} : memref<13312xi32, #tpu.memory_space<vmem>>, vector<16xi32>,
      %parallel_loop3A_347 = arith.constant 96 : i32
      %parallel_loop3A_348 = arith.addi %parallel_loop3A_214, %parallel_loop3A_347 : i32
      %parallel_loop3A_349 = arith.index_cast %parallel_loop3A_348 : i32 to index
      %parallel_loop3A_350 = tpu.vector_load %arg4[%parallel_loop3A_349] {strides = array<i32>} : memref<13312xi32, #tpu.memory_space<vmem>>, vector<16xi32>,
      %parallel_loop3A_351 = vector.shape_cast %parallel_loop3A_350 : vector<16xi32> to vector<16xi32>
      %parallel_loop3A_352 = arith.sitofp %parallel_loop3A_351 : vector<16xi32> to vector<16xf32>
      %parallel_loop3A_353 = vector.broadcast %parallel_loop3A_213 : f32 to vector<16xf32>
      %parallel_loop3A_354 = arith.mulf %parallel_loop3A_352, %parallel_loop3A_353 : vector<16xf32>
      %parallel_loop3A_355 = arith.fptosi %parallel_loop3A_354 : vector<16xf32> to vector<16xi32>
      %parallel_loop3A_356 = arith.constant 10000 : i32
      %parallel_loop3A_357 = vector.broadcast %parallel_loop3A_356 : i32 to vector<16xi32>
      %parallel_loop3A_358 = arith.muli %parallel_loop3A_355, %parallel_loop3A_357 : vector<16xi32>
      %parallel_loop3A_359 = arith.subi %parallel_loop3A_351, %parallel_loop3A_358 : vector<16xi32>
      %parallel_loop3A_360 = arith.constant 0 : i32
      %parallel_loop3A_361 = vector.broadcast %parallel_loop3A_360 : i32 to vector<16xi32>
      %parallel_loop3A_362 = arith.cmpi sgt, %parallel_loop3A_351, %parallel_loop3A_361 : vector<16xi32>
      %parallel_loop3A_363 = arith.addi %add3A_114, %parallel_loop3A_359 : vector<16xi32>
      %parallel_loop3A_364 = arith.select %parallel_loop3A_362, %parallel_loop3A_363, %mul3A_5 : vector<16xi1>, vector<16xi32>
      %parallel_loop3A_365 = arith.index_cast %parallel_loop3A_348 : i32 to index
      %parallel_loop3A_366 = tpu.vector_load %arg5[%parallel_loop3A_365] {strides = array<i32>} : memref<13312xi32, #tpu.memory_space<vmem>>, vector<16xi32>,
      %parallel_loop3A_367 = vector.shape_cast %parallel_loop3A_366 : vector<16xi32> to vector<16xi32>
      %parallel_loop3A_368 = vector.shape_cast %parallel_loop3A_364 : vector<16xi32> to vector<16xi32>
      tpu.vector_store %arg5[%parallel_loop3A_365], %parallel_loop3A_368 {strides = array<i32>} : memref<13312xi32, #tpu.memory_space<vmem>>, vector<16xi32>,
      %parallel_loop3A_369 = arith.constant 112 : i32
      %parallel_loop3A_370 = arith.addi %parallel_loop3A_214, %parallel_loop3A_369 : i32
      %parallel_loop3A_371 = arith.index_cast %parallel_loop3A_370 : i32 to index
      %parallel_loop3A_372 = tpu.vector_load %arg4[%parallel_loop3A_371] {strides = array<i32>} : memref<13312xi32, #tpu.memory_space<vmem>>, vector<16xi32>,
      %parallel_loop3A_373 = vector.shape_cast %parallel_loop3A_372 : vector<16xi32> to vector<16xi32>
      %parallel_loop3A_374 = arith.sitofp %parallel_loop3A_373 : vector<16xi32> to vector<16xf32>
      %parallel_loop3A_375 = vector.broadcast %parallel_loop3A_213 : f32 to vector<16xf32>
      %parallel_loop3A_376 = arith.mulf %parallel_loop3A_374, %parallel_loop3A_375 : vector<16xf32>
      %parallel_loop3A_377 = arith.fptosi %parallel_loop3A_376 : vector<16xf32> to vector<16xi32>
      %parallel_loop3A_378 = arith.constant 10000 : i32
      %parallel_loop3A_379 = vector.broadcast %parallel_loop3A_378 : i32 to vector<16xi32>
      %parallel_loop3A_380 = arith.muli %parallel_loop3A_377, %parallel_loop3A_379 : vector<16xi32>
      %parallel_loop3A_381 = arith.subi %parallel_loop3A_373, %parallel_loop3A_380 : vector<16xi32>
      %parallel_loop3A_382 = arith.constant 0 : i32
      %parallel_loop3A_383 = vector.broadcast %parallel_loop3A_382 : i32 to vector<16xi32>
      %parallel_loop3A_384 = arith.cmpi sgt, %parallel_loop3A_373, %parallel_loop3A_383 : vector<16xi32>
      %parallel_loop3A_385 = arith.addi %add3A_130, %parallel_loop3A_381 : vector<16xi32>
      %parallel_loop3A_386 = arith.select %parallel_loop3A_384, %parallel_loop3A_385, %mul3A_5 : vector<16xi1>, vector<16xi32>
      %parallel_loop3A_387 = arith.index_cast %parallel_loop3A_370 : i32 to index
      %parallel_loop3A_388 = tpu.vector_load %arg5[%parallel_loop3A_387] {strides = array<i32>} : memref<13312xi32, #tpu.memory_space<vmem>>, vector<16xi32>,
      %parallel_loop3A_389 = vector.shape_cast %parallel_loop3A_388 : vector<16xi32> to vector<16xi32>
      %parallel_loop3A_390 = vector.shape_cast %parallel_loop3A_386 : vector<16xi32> to vector<16xi32>
      tpu.vector_store %arg5[%parallel_loop3A_387], %parallel_loop3A_390 {strides = array<i32>} : memref<13312xi32, #tpu.memory_space<vmem>>, vector<16xi32>,
      %parallel_loop3A_391 = arith.constant 128 : i32
      %parallel_loop3A_392 = arith.addi %parallel_loop3A_214, %parallel_loop3A_391 : i32
      %parallel_loop3A_393 = arith.index_cast %parallel_loop3A_392 : i32 to index
      %parallel_loop3A_394 = tpu.vector_load %arg4[%parallel_loop3A_393] {strides = array<i32>} : memref<13312xi32, #tpu.memory_space<vmem>>, vector<16xi32>,
      %parallel_loop3A_395 = vector.shape_cast %parallel_loop3A_394 : vector<16xi32> to vector<16xi32>
      %parallel_loop3A_396 = arith.sitofp %parallel_loop3A_395 : vector<16xi32> to vector<16xf32>
      %parallel_loop3A_397 = vector.broadcast %parallel_loop3A_213 : f32 to vector<16xf32>
      %parallel_loop3A_398 = arith.mulf %parallel_loop3A_396, %parallel_loop3A_397 : vector<16xf32>
      %parallel_loop3A_399 = arith.fptosi %parallel_loop3A_398 : vector<16xf32> to vector<16xi32>
      %parallel_loop3A_400 = arith.constant 10000 : i32
      %parallel_loop3A_401 = vector.broadcast %parallel_loop3A_400 : i32 to vector<16xi32>
      %parallel_loop3A_402 = arith.muli %parallel_loop3A_399, %parallel_loop3A_401 : vector<16xi32>
      %parallel_loop3A_403 = arith.subi %parallel_loop3A_395, %parallel_loop3A_402 : vector<16xi32>
      %parallel_loop3A_404 = arith.constant 0 : i32
      %parallel_loop3A_405 = vector.broadcast %parallel_loop3A_404 : i32 to vector<16xi32>
      %parallel_loop3A_406 = arith.cmpi sgt, %parallel_loop3A_395, %parallel_loop3A_405 : vector<16xi32>
      %parallel_loop3A_407 = arith.addi %add3A_146, %parallel_loop3A_403 : vector<16xi32>
      %parallel_loop3A_408 = arith.select %parallel_loop3A_406, %parallel_loop3A_407, %mul3A_5 : vector<16xi1>, vector<16xi32>
      %parallel_loop3A_409 = arith.index_cast %parallel_loop3A_392 : i32 to index
      %parallel_loop3A_410 = tpu.vector_load %arg5[%parallel_loop3A_409] {strides = array<i32>} : memref<13312xi32, #tpu.memory_space<vmem>>, vector<16xi32>,
      %parallel_loop3A_411 = vector.shape_cast %parallel_loop3A_410 : vector<16xi32> to vector<16xi32>
      %parallel_loop3A_412 = vector.shape_cast %parallel_loop3A_408 : vector<16xi32> to vector<16xi32>
      tpu.vector_store %arg5[%parallel_loop3A_409], %parallel_loop3A_412 {strides = array<i32>} : memref<13312xi32, #tpu.memory_space<vmem>>, vector<16xi32>,
      %parallel_loop3A_413 = arith.constant 144 : i32
      %parallel_loop3A_414 = arith.addi %parallel_loop3A_214, %parallel_loop3A_413 : i32
      %parallel_loop3A_415 = arith.index_cast %parallel_loop3A_414 : i32 to index
      %parallel_loop3A_416 = tpu.vector_load %arg4[%parallel_loop3A_415] {strides = array<i32>} : memref<13312xi32, #tpu.memory_space<vmem>>, vector<16xi32>,
      %parallel_loop3A_417 = vector.shape_cast %parallel_loop3A_416 : vector<16xi32> to vector<16xi32>
      %parallel_loop3A_418 = arith.sitofp %parallel_loop3A_417 : vector<16xi32> to vector<16xf32>
      %parallel_loop3A_419 = vector.broadcast %parallel_loop3A_213 : f32 to vector<16xf32>
      %parallel_loop3A_420 = arith.mulf %parallel_loop3A_418, %parallel_loop3A_419 : vector<16xf32>
      %parallel_loop3A_421 = arith.fptosi %parallel_loop3A_420 : vector<16xf32> to vector<16xi32>
      %parallel_loop3A_422 = arith.constant 10000 : i32
      %parallel_loop3A_423 = vector.broadcast %parallel_loop3A_422 : i32 to vector<16xi32>
      %parallel_loop3A_424 = arith.muli %parallel_loop3A_421, %parallel_loop3A_423 : vector<16xi32>
      %parallel_loop3A_425 = arith.subi %parallel_loop3A_417, %parallel_loop3A_424 : vector<16xi32>
      %parallel_loop3A_426 = arith.constant 0 : i32
      %parallel_loop3A_427 = vector.broadcast %parallel_loop3A_426 : i32 to vector<16xi32>
      %parallel_loop3A_428 = arith.cmpi sgt, %parallel_loop3A_417, %parallel_loop3A_427 : vector<16xi32>
      %parallel_loop3A_429 = arith.addi %add3A_162, %parallel_loop3A_425 : vector<16xi32>
      %parallel_loop3A_430 = arith.select %parallel_loop3A_428, %parallel_loop3A_429, %mul3A_5 : vector<16xi1>, vector<16xi32>
      %parallel_loop3A_431 = arith.index_cast %parallel_loop3A_414 : i32 to index
      %parallel_loop3A_432 = tpu.vector_load %arg5[%parallel_loop3A_431] {strides = array<i32>} : memref<13312xi32, #tpu.memory_space<vmem>>, vector<16xi32>,
      %parallel_loop3A_433 = vector.shape_cast %parallel_loop3A_432 : vector<16xi32> to vector<16xi32>
      %parallel_loop3A_434 = vector.shape_cast %parallel_loop3A_430 : vector<16xi32> to vector<16xi32>
      tpu.vector_store %arg5[%parallel_loop3A_431], %parallel_loop3A_434 {strides = array<i32>} : memref<13312xi32, #tpu.memory_space<vmem>>, vector<16xi32>,
      %parallel_loop3A_435 = arith.constant 160 : i32
      %parallel_loop3A_436 = arith.addi %parallel_loop3A_214, %parallel_loop3A_435 : i32
      %parallel_loop3A_437 = arith.index_cast %parallel_loop3A_436 : i32 to index
      %parallel_loop3A_438 = tpu.vector_load %arg4[%parallel_loop3A_437] {strides = array<i32>} : memref<13312xi32, #tpu.memory_space<vmem>>, vector<16xi32>,
      %parallel_loop3A_439 = vector.shape_cast %parallel_loop3A_438 : vector<16xi32> to vector<16xi32>
      %parallel_loop3A_440 = arith.sitofp %parallel_loop3A_439 : vector<16xi32> to vector<16xf32>
      %parallel_loop3A_441 = vector.broadcast %parallel_loop3A_213 : f32 to vector<16xf32>
      %parallel_loop3A_442 = arith.mulf %parallel_loop3A_440, %parallel_loop3A_441 : vector<16xf32>
      %parallel_loop3A_443 = arith.fptosi %parallel_loop3A_442 : vector<16xf32> to vector<16xi32>
      %parallel_loop3A_444 = arith.constant 10000 : i32
      %parallel_loop3A_445 = vector.broadcast %parallel_loop3A_444 : i32 to vector<16xi32>
      %parallel_loop3A_446 = arith.muli %parallel_loop3A_443, %parallel_loop3A_445 : vector<16xi32>
      %parallel_loop3A_447 = arith.subi %parallel_loop3A_439, %parallel_loop3A_446 : vector<16xi32>
      %parallel_loop3A_448 = arith.constant 0 : i32
      %parallel_loop3A_449 = vector.broadcast %parallel_loop3A_448 : i32 to vector<16xi32>
      %parallel_loop3A_450 = arith.cmpi sgt, %parallel_loop3A_439, %parallel_loop3A_449 : vector<16xi32>
      %parallel_loop3A_451 = arith.addi %add3A_178, %parallel_loop3A_447 : vector<16xi32>
      %parallel_loop3A_452 = arith.select %parallel_loop3A_450, %parallel_loop3A_451, %mul3A_5 : vector<16xi1>, vector<16xi32>
      %parallel_loop3A_453 = arith.index_cast %parallel_loop3A_436 : i32 to index
      %parallel_loop3A_454 = tpu.vector_load %arg5[%parallel_loop3A_453] {strides = array<i32>} : memref<13312xi32, #tpu.memory_space<vmem>>, vector<16xi32>,
      %parallel_loop3A_455 = vector.shape_cast %parallel_loop3A_454 : vector<16xi32> to vector<16xi32>
      %parallel_loop3A_456 = vector.shape_cast %parallel_loop3A_452 : vector<16xi32> to vector<16xi32>
      tpu.vector_store %arg5[%parallel_loop3A_453], %parallel_loop3A_456 {strides = array<i32>} : memref<13312xi32, #tpu.memory_space<vmem>>, vector<16xi32>,
      %parallel_loop3A_457 = arith.constant 176 : i32
      %parallel_loop3A_458 = arith.addi %parallel_loop3A_214, %parallel_loop3A_457 : i32
      %parallel_loop3A_459 = arith.index_cast %parallel_loop3A_458 : i32 to index
      %parallel_loop3A_460 = tpu.vector_load %arg4[%parallel_loop3A_459] {strides = array<i32>} : memref<13312xi32, #tpu.memory_space<vmem>>, vector<16xi32>,
      %parallel_loop3A_461 = vector.shape_cast %parallel_loop3A_460 : vector<16xi32> to vector<16xi32>
      %parallel_loop3A_462 = arith.sitofp %parallel_loop3A_461 : vector<16xi32> to vector<16xf32>
      %parallel_loop3A_463 = vector.broadcast %parallel_loop3A_213 : f32 to vector<16xf32>
      %parallel_loop3A_464 = arith.mulf %parallel_loop3A_462, %parallel_loop3A_463 : vector<16xf32>
      %parallel_loop3A_465 = arith.fptosi %parallel_loop3A_464 : vector<16xf32> to vector<16xi32>
      %parallel_loop3A_466 = arith.constant 10000 : i32
      %parallel_loop3A_467 = vector.broadcast %parallel_loop3A_466 : i32 to vector<16xi32>
      %parallel_loop3A_468 = arith.muli %parallel_loop3A_465, %parallel_loop3A_467 : vector<16xi32>
      %parallel_loop3A_469 = arith.subi %parallel_loop3A_461, %parallel_loop3A_468 : vector<16xi32>
      %parallel_loop3A_470 = arith.constant 0 : i32
      %parallel_loop3A_471 = vector.broadcast %parallel_loop3A_470 : i32 to vector<16xi32>
      %parallel_loop3A_472 = arith.cmpi sgt, %parallel_loop3A_461, %parallel_loop3A_471 : vector<16xi32>
      %parallel_loop3A_473 = arith.addi %add3A_194, %parallel_loop3A_469 : vector<16xi32>
      %parallel_loop3A_474 = arith.select %parallel_loop3A_472, %parallel_loop3A_473, %mul3A_5 : vector<16xi1>, vector<16xi32>
      %parallel_loop3A_475 = arith.index_cast %parallel_loop3A_458 : i32 to index
      %parallel_loop3A_476 = tpu.vector_load %arg5[%parallel_loop3A_475] {strides = array<i32>} : memref<13312xi32, #tpu.memory_space<vmem>>, vector<16xi32>,
      %parallel_loop3A_477 = vector.shape_cast %parallel_loop3A_476 : vector<16xi32> to vector<16xi32>
      %parallel_loop3A_478 = vector.shape_cast %parallel_loop3A_474 : vector<16xi32> to vector<16xi32>
      tpu.vector_store %arg5[%parallel_loop3A_475], %parallel_loop3A_478 {strides = array<i32>} : memref<13312xi32, #tpu.memory_space<vmem>>, vector<16xi32>,
      %parallel_loop3A_479 = arith.constant 192 : i32
      %parallel_loop3A_480 = arith.addi %parallel_loop3A_214, %parallel_loop3A_479 : i32
      %parallel_loop3A_481 = arith.index_cast %parallel_loop3A_480 : i32 to index
      %parallel_loop3A_482 = tpu.vector_load %arg4[%parallel_loop3A_481] {strides = array<i32>} : memref<13312xi32, #tpu.memory_space<vmem>>, vector<16xi32>,
      %parallel_loop3A_483 = vector.shape_cast %parallel_loop3A_482 : vector<16xi32> to vector<16xi32>
      %parallel_loop3A_484 = arith.sitofp %parallel_loop3A_483 : vector<16xi32> to vector<16xf32>
      %parallel_loop3A_485 = vector.broadcast %parallel_loop3A_213 : f32 to vector<16xf32>
      %parallel_loop3A_486 = arith.mulf %parallel_loop3A_484, %parallel_loop3A_485 : vector<16xf32>
      %parallel_loop3A_487 = arith.fptosi %parallel_loop3A_486 : vector<16xf32> to vector<16xi32>
      %parallel_loop3A_488 = arith.constant 10000 : i32
      %parallel_loop3A_489 = vector.broadcast %parallel_loop3A_488 : i32 to vector<16xi32>
      %parallel_loop3A_490 = arith.muli %parallel_loop3A_487, %parallel_loop3A_489 : vector<16xi32>
      %parallel_loop3A_491 = arith.subi %parallel_loop3A_483, %parallel_loop3A_490 : vector<16xi32>
      %parallel_loop3A_492 = arith.constant 0 : i32
      %parallel_loop3A_493 = vector.broadcast %parallel_loop3A_492 : i32 to vector<16xi32>
      %parallel_loop3A_494 = arith.cmpi sgt, %parallel_loop3A_483, %parallel_loop3A_493 : vector<16xi32>
      %parallel_loop3A_495 = arith.addi %add3A_210, %parallel_loop3A_491 : vector<16xi32>
      %parallel_loop3A_496 = arith.select %parallel_loop3A_494, %parallel_loop3A_495, %mul3A_5 : vector<16xi1>, vector<16xi32>
      %parallel_loop3A_497 = arith.index_cast %parallel_loop3A_480 : i32 to index
      %parallel_loop3A_498 = tpu.vector_load %arg5[%parallel_loop3A_497] {strides = array<i32>} : memref<13312xi32, #tpu.memory_space<vmem>>, vector<16xi32>,
      %parallel_loop3A_499 = vector.shape_cast %parallel_loop3A_498 : vector<16xi32> to vector<16xi32>
      %parallel_loop3A_500 = vector.shape_cast %parallel_loop3A_496 : vector<16xi32> to vector<16xi32>
      tpu.vector_store %arg5[%parallel_loop3A_497], %parallel_loop3A_500 {strides = array<i32>} : memref<13312xi32, #tpu.memory_space<vmem>>, vector<16xi32>,
    } {sc.loop_unroll_factor = 1 : i64, sc.parallel_access}
    "tpu.region"() ({
      %run_scoped3A = tpu.sem_alloc : memref<!tpu.dma_semaphore, #tpu.memory_space<semaphore_mem>>
      %dma_start3A = tpu.memref_slice %arg3[%mul3A_2] : memref<425984xi32, #tpu.memory_space<hbm>> -> memref<13312xi32, #tpu.memory_space<hbm>>
      %dma_start3A_214 = tpu.memref_slice %arg3[%mul3A_2] : memref<425984xi32, #tpu.memory_space<hbm>> -> memref<13312xi32, #tpu.memory_space<hbm>>
      tpu.enqueue_dma source(%arg5 : memref<13312xi32, #tpu.memory_space<vmem>>) target(%dma_start3A_214 : memref<13312xi32, #tpu.memory_space<hbm>>) target_semaphore(%run_scoped3A : memref<!tpu.dma_semaphore, #tpu.memory_space<semaphore_mem>>)
      %dma_wait3A = tpu.memref_slice %arg3[%mul3A_2] : memref<425984xi32, #tpu.memory_space<hbm>> -> memref<13312xi32, #tpu.memory_space<hbm>>
      %dma_wait3A_215 = tpu.memref_slice %arg3[%mul3A_2] : memref<425984xi32, #tpu.memory_space<hbm>> -> memref<13312xi32, #tpu.memory_space<hbm>>
      tpu.wait_dma2 semaphore(%run_scoped3A : memref<!tpu.dma_semaphore, #tpu.memory_space<semaphore_mem>>) src(%arg5 : memref<13312xi32, #tpu.memory_space<vmem>>) dst(%dma_wait3A_215 : memref<13312xi32, #tpu.memory_space<hbm>>)
      tpu.yield
    }) : () -> ()
    return
  }
}

</mosaic_0001>

<sc_bundles>
// kernel: kernel.3.cloned.1.call-start
scs
__scs_entry_jumppad:
0x0: {  	(pc) =	sbr.rel $0x88, $3  }
0x1: {  	(tag) =	ssettag $0x0;
	lr =	simm.s32 $0x1  }
0x2: {  	[smem:$0x3FA0] =	sst lr;
	_ =	strace $0xD0000000  }
0x3: {  	_ = 	snop  }
0x4: {  	_ = 	snop  }
0x5: {  	_ = 	snop  }
0x6: {  	_ = 	snop  }
0x7: {  	_ = 	snop  }
__scs_overlays_trampoline_lowered:
0x8: {  	[smem:$0x3FAF] =	sst s0  }
0x9: {  	[smem:$0x3FB0] =	sst s1  }
0xa: {  	[smem:$0x3FB1] =	sst s2  }
0xb: {  	[smem:$0x3FB2] =	sst s3  }
0xc: {  	[smem:$0x3FB3] =	sst s4  }
0xd: {  	[smem:$0x3FB4] =	sst s5  }
0xe: {  	[smem:$0x3FB5] =	sst s6  }
0xf: {  	[smem:$0x3FB6] =	sst s7  }
0x10: {  	[smem:$0x3FB7] =	sst s8  }
0x11: {  	[smem:$0x3FB8] =	sst s9;
	s0 =	simm.s32 @!p0 $0x0  }
0x12: {  	s1 =	sld [smem:$0x3F9E];
	s0 =	simm.s32 @p0 $0x1  }
0x13: {  	[smem:$0x3FB9] =	sst s0;
	s0 =	simm.s32 @!p1 $0x0  }
0x14: {  	s2 =	sld [smem:$0x3F9D];
	s0 =	simm.s32 @p1 $0x1  }
0x15: {  	[smem:$0x3FBA] =	sst s0;
	s0 =	simm.s32 @!p2 $0x0  }
0x16: {  	s3 =	sld [smem:$0x3FDB];
	s0 =	simm.s32 @p2 $0x1  }
0x17: {  	s4 =	simm.s32 $0x1BF5;
	[smem:$0x3FBC] =	sst s0  }
0x18: {  	s0 =	sld [smem:$0x3F9F];
	_ =	swait.ge [sflag:s4], $0x0  }
0x19: {  	s7 =	sld [smem:$0x3FA0]  }
0x1a: {  	s8 =	sadd.s32 $0xFFFFE003, lr  }
0x1b: {  	s9 =	sadd.s32 $0xFFFFFEF7, lr;
	s5 =	simm.s32 $0xFFFFFFFF;
	p2 =	slt.u32 s8, $0xFFFFF086  }
0x1c: {  	p1 =	slt.u32 s9, $0xF7A;
	s5 =	simm.s32 @!p2 $0x0  }
0x1d: {  	s5 =	simm.s32 @p1 $0x1;
	p0 =	seq.s32 s7, s2  }
0x1e: {  	s7 =	smul.u32 @!p0 $0xF7A, s2;
	p2 =	seq.s32 @!p0 s5, $0x0  }
0x1f: {  	s9 =	smul.u32 $0xF7A, s1;
	s8 =	simm.s32 @!p0 $0x1BF5;
	p2 =	por !p2, p0  }
0x20: {  	[sflag:s8] =	ssyncset.s32 @!p0 $0xFFFFF086;
	s6 =	sadd.s32 @!p0 s3, s7;
	s7 =	simm.s32 @!p0 $0x108  }
0x21: {  	s3 =	sadd.s32 s3, s9;
	s6 =	sadd.s32 @!p0 $0x88, s6;
	s7 =	simm.s32 @p2 $0x1082  }
0x22: {  	[simem:s7], [sflag:s8] =	dma.local @!p0 [hbm:s6], $0xF7A  }
0x23: {  	s9 =	sor.u32 $0xD0000000, s2;
	s6 =	simm.s32 $0x108;
	_ =	swait.ge @!p0 [sflag:s8], $0x0  }
0x24: {  	s3 =	sadd.s32 $0x88, s3;
	s6 =	simm.s32 @!p1 $0x1082;
	[sflag:s4] =	ssyncset.s32 $0xFFFFF086  }
0x25: {  	[simem:s6], [sflag:s4] =	dma.local [hbm:s3], $0xF7A  }
0x26: {  	[smem:$0x3FA0] =	sst s1;
	(tag) =	ssettag s2;
	_ =	strace s9  }
0x27: {  	s1 =	sld [smem:$0x3FB0]  }
0x28: {  	s2 =	sld [smem:$0x3FB1]  }
0x29: {  	s4 =	sld [smem:$0x3FB3]  }
0x2a: {  	p0 =	seq.s32 s5, $0x0;
	s5 =	sld [smem:$0x3FB4]  }
0x2b: {  	s6 =	sld [smem:$0x3FB5]  }
0x2c: {  	s7 =	sld [smem:$0x3FB6]  }
0x2d: {  	s3 =	simm.s32 $0x108;
	s8 =	sld [smem:$0x3FB7]  }
0x2e: {  	s3 =	simm.s32 @!p0 $0x1082;
	s9 =	sld [smem:$0x3FB8]  }
0x2f: {  	lr =	sadd.s32 s0, s3;
	s0 =	sld [smem:$0x3FAF]  }
0x30: {  	s3 =	sld [smem:$0x3FB2]  }
0x31: {  	[smem:$0x3FBB] =	sst s10  }
0x32: {  	s10 =	sld [smem:$0x3FB9];
	_ =	sdelay $0x3  }
0x33: {  	p0 =	seq.s32 s10, $0x1;
	s10 =	sld [smem:$0x3FBB];
	_ =	sdelay $0x3  }
0x34: {  	[smem:$0x3FBB] =	sst s10  }
0x35: {  	s10 =	sld [smem:$0x3FBA];
	_ =	sdelay $0x3  }
0x36: {  	p1 =	seq.s32 s10, $0x1;
	s10 =	sld [smem:$0x3FBB];
	_ =	sdelay $0x3  }
0x37: {  	[smem:$0x3FBB] =	sst s10  }
0x38: {  	s10 =	sld [smem:$0x3FBC]  }
0x39: {  	_ = 	snop;
	(pc) =	sbr.ind lr, $3  }
0x3a: {  	_ = 	snop  }
0x3b: {  	_ = 	snop  }
0x3c: {  	p2 =	seq.s32 s10, $0x1;
	s10 =	sld [smem:$0x3FBB]  }
0x3d: {  	_ =	shalt  }
0x3e: {  	_ =	shalt  }
0x3f: {  	_ =	shalt  }
0x40: {  	_ =	shalt  }
0x41: {  	_ =	shalt  }
0x42: {  	_ =	shalt  }
0x43: {  	_ =	shalt  }
0x44: {  	_ =	shalt  }
0x45: {  	_ =	shalt  }
0x46: {  	_ =	shalt  }
0x47: {  	_ =	shalt  }
0x48: {  	_ =	shalt  }
0x49: {  	_ =	shalt  }
0x4a: {  	_ =	shalt  }
0x4b: {  	_ =	shalt  }
0x4c: {  	_ =	shalt  }
0x4d: {  	_ =	shalt  }
0x4e: {  	_ =	shalt  }
0x4f: {  	_ =	shalt  }
0x50: {  	_ =	shalt  }
0x51: {  	_ =	shalt  }
0x52: {  	_ =	shalt  }
0x53: {  	_ =	shalt  }
0x54: {  	_ =	shalt  }
0x55: {  	_ =	shalt  }
0x56: {  	_ =	shalt  }
0x57: {  	_ =	shalt  }
0x58: {  	_ =	shalt  }
0x59: {  	_ =	shalt  }
0x5a: {  	_ =	shalt  }
0x5b: {  	_ =	shalt  }
0x5c: {  	_ =	shalt  }
0x5d: {  	_ =	shalt  }
0x5e: {  	_ =	shalt  }
0x5f: {  	_ =	shalt  }
0x60: {  	_ =	shalt  }
0x61: {  	_ =	shalt  }
0x62: {  	_ =	shalt  }
0x63: {  	_ =	shalt  }
0x64: {  	_ =	shalt  }
0x65: {  	_ =	shalt  }
0x66: {  	_ =	shalt  }
0x67: {  	_ =	shalt  }
0x68: {  	_ =	shalt  }
0x69: {  	_ =	shalt  }
0x6a: {  	_ =	shalt  }
0x6b: {  	_ =	shalt  }
0x6c: {  	_ =	shalt  }
0x6d: {  	_ =	shalt  }
0x6e: {  	_ =	shalt  }
0x6f: {  	_ =	shalt  }
0x70: {  	_ =	shalt  }
0x71: {  	_ =	shalt  }
0x72: {  	_ =	shalt  }
0x73: {  	_ =	shalt  }
0x74: {  	_ =	shalt  }
0x75: {  	_ =	shalt  }
0x76: {  	_ =	shalt  }
0x77: {  	_ =	shalt  }
0x78: {  	_ =	shalt  }
0x79: {  	_ =	shalt  }
0x7a: {  	_ =	shalt  }
0x7b: {  	_ =	shalt  }
0x7c: {  	_ =	shalt  }
0x7d: {  	_ =	shalt  }
0x7e: {  	_ =	shalt  }
0x7f: {  	_ =	shalt  }
0x80: {  	_ =	shalt  }
0x81: {  	_ =	shalt  }
0x82: {  	_ =	shalt  }
0x83: {  	_ =	shalt  }
0x84: {  	_ =	shalt  }
0x85: {  	_ =	shalt  }
0x86: {  	_ =	shalt  }
0x87: {  	_ =	shalt  }
.Lfunc_end0:
.L_simem_size_0:
called_computation_lowered:
.L_overlay_start_0:
0x88: {  	s2 =	sld [smem:$0x3FD9]  }
0x89: {  	s3 =	sld [smem:$0x3FFE];
	_ =	sdelay $0x1  }
0x8a: {  	s1 =	srdreg.scid  }
0x8b: {  	s0 =	sand.u32 $0x1, s1  }
0x8c: {  	s14 =	sshll.u32 s0, $0xA;
	s2 =	sadd.s32 s3, s2  }
0x8d: {  	s2 =	sadd.s32 s2, s14  }
0x8e: {  	[smem:$0x3FC7] =	sst s2  }
0x8f: {  	_ = 	snop  }
0x90: {  	s2 =	sld [smem:$0x3FD0];
	_ =	sdelay $0x2  }
0x91: {  	s15 =	simm.s32 $0xA;
	s4 =	simm.s32 $0x10  }
0x92: {  	[smem:s4], [sflag:s15] =	dma.local [hbm:s2], $0x1  }
0x93: {  	_ =	swait.eq [sflag:s15], $0x1  }
0x94: {  	[sflag:s15] =	ssyncset.done $0x0  }
0x95: {  	[sflag:s15] =	ssyncadd.s32 $0xFFFFFFFF  }
0x96: {  	s16 =	sld [smem:$0x10];
	(tm) =	ssettm $0x1  }
0x97: {  	s17 =	sld [smem:$0x3FFB];
	_ =	sdelay $0x3  }
0x98: {  	_ =	strace s17  }
0x99: {  	s3 =	sld [smem:$0x3FFC];
	_ =	sdelay $0x3  }
0x9a: {  	_ =	strace s3  }
0x9b: {  	s3 =	sld [smem:$0x3FFD];
	_ =	sdelay $0x3  }
0x9c: {  	_ =	strace s3  }
0x9d: {  	_ =	strace $0x8FFFFFFF  }
0x9e: {  	s18 =	sld [smem:$0x3FDB];
	_ =	sdelay $0x1  }
0x9f: {  	s19 =	simm.s32 $_scs_section_size  }
0xa0: {  	s5 =	simm.s32 $_size__tile_overlayer_lowered;
	s6 =	simm.s32 $_tile_overlayer_lowered  }
0xa1: {  	s22 =	simm.s32 $0x1BFF;
	s21 =	sshll.u32 s6, $0x1;
	s3 =	sadd.s32 s19, s18  }
0xa2: {  	s7 =	simm.s32 $0x0;
	s20 =	sshll.u32 s5, $0x1;
	s5 =	sadd.s32 s21, s3  }
0xa3: {  	[timem:s7], [sflag:s22] =	dma.local [hbm:s5], s20  }
0xa4: {  	_ =	swait.ge [sflag:s22], s20  }
0xa5: {  	s4 =	ssub.s32 $0x0, s20;
	[sflag:s22] =	ssyncset.done $0x0  }
0xa6: {  	[sflag:s22] =	ssyncadd.s32 s4;
	_ =	sdelay $0x1  }
0xa7: {  	s23 =	simm.s32 $0x1B8B  }
0xa8: {  	_ =	swait.ge [sflag:s23], $0x1  }
0xa9: {  	[sflag:s23] =	ssyncset.done $0x0  }
0xaa: {  	s25 =	simm.s32 $0x1B8E;
	s24 =	sld [smem:$0x3FFE];
	[sflag:s23] =	ssyncadd.s32 $0xFFFFFFFF  }
0xab: {  	s26 =	simm.s32 $execute0_lowered;
	[smem:$0x3FD2] =	sst s25  }
0xac: {  	s5 =	sshll.u32 s26, $0x1;
	_ =	strace $0x80000046;
	[dreg:$0x1] =	wrdreg $0xFFFFFFFF  }
0xad: {  	s28 =	simm.s32 $_size_execute0_lowered;
	s3 =	sadd.s32 s3, s5;
	[dreg:$0x0] =	wrdreg $0x0  }
0xae: {  	s5 =	sshll.u32 s28, $0x1;
	[dreg:$0x2] =	wrdreg s3  }
0xaf: {  	[dreg:$0x3] =	wrdreg s5  }
0xb0: {  	[dreg:$0x4] =	wrdreg $0xC0  }
0xb1: {  	_ =	task [dreg:s7], $0x5FFFF  }
0xb2: {  	[dreg:$0x1] =	wrdreg $0xFFFFFFFF  }
0xb3: {  	[dreg:$0x0] =	wrdreg $0x60  }
0xb4: {  	[dreg:$0x2] =	wrdreg s16  }
0xb5: {  	[dreg:$0x3] =	wrdreg s24  }
0xb6: {  	[dreg:$0x4] =	wrdreg $0x9  }
0xb7: {  	_ =	task.clear_ibuf [dreg:s7], $0x5FFFF;
	_ =	strace $0x90000046  }
0xb8: {  	s29 =	simm.s32 $0x9;
	_ =	strace $0x80000048  }
0xb9: {  	_ =	swait.ge [sflag:s29], $0x1  }
0xba: {  	[sflag:s29] =	ssyncadd.s32 $0xFFFFFFFF  }
0xbb: {  	_ =	strace $0x90000048  }
0xbc: {  	_ =	sfence  }
0xbd: {  	s30 =	sld [smem:$0x0];
	_ =	sdelay $0x2  }
0xbe: {  	s31 =	sshll.u32 s1, $0xD;
	s1 =	sshrl.u32 s1, $0x2  }
0xbf: {  	s3 =	sand.u32 $0x4000, s31;
	s1 =	sadd.s32 s1, s30  }
0xc0: {  	s0 =	sor.u32 s3, s0;
	s1 =	sshll.u32 s1, $0x11  }
0xc1: {  	s0 =	sor.u32 s1, s0  }
0xc2: {  	s0 =	sadd.s32 $0x8F2B, s0  }
0xc3: {  	[sflag:s0] =	ssyncadd.remote.s32 $0x1  }
0xc4: {  	_ =	sfence.sel $0xFFFF  }
0xc5: {  	[dreg:$0x0] =	wrdreg $0xFFFFFFFF;
	(pc) =	sbr.abs _section_cstart, $3  }
0xc6: {  	[dreg:$0x1] =	wrdreg $0xFFFFFFFF  }
0xc7: {  	_ =	task.clear_ibuf [dreg:s7], $0x2FFFF;
	_ =	strace $0x9FFFFFFF  }
0xc8: {  	(tm) =	ssettm $0x7FFFFFFF  }
0xc9: {  	_ =	shalt  }
tec
execute0_lowered:
.L_overlay_start_1:
0x0: {  	(tag) =	ssettag $0x1  }
0x1: {  	vm13 =	vcmask $0x300;
	v0 =	vimm.s32 $0xC357;
	vm14 =	vcmask $0x704  }
0x2: {  	vm12 =	vcmask $0xB08;
	vm11 =	vcmask $0xF0C;
	vm10 =	vcmask $0x1310  }
0x3: {  	vm9 =	vcmask $0x1714;
	vm8 =	vcmask $0x1B18;
	vm7 =	vcmask $0x1F1C  }
0x4: {  	vm6 =	vcmask $0x2320;
	vm5 =	vcmask $0x2724;
	vm4 =	vcmask $0x2B28  }
0x5: {  	v1 =	vlaneseq.u32;
	vm3 =	vcmask $0x2F2C;
	vm2 =	vcmask $0x3330  }
0x6: {  	vm0 =	vcmask $0x3734;
	vm1 =	vcmask $0x3B38;
	v3 =	vimm.s32 $0x1ADBD  }
0x7: {  	v4 =	vimm.s32 $0x2713;
	v5 =	vimm.s32 $0x11179;
	v8 =	vimm.s32 $0x1FBDF  }
0x8: {  	v9 =	vimm.s32 $0x7535;
	v10 =	vimm.s32 $0x15F9B;
	v0 =	vsel vm13, $0x27112, v0  }
0x9: {  	v12 =	vmul.u32 $0x2711, v1;
	v3 =	vsel vm13, $0x35B78, v3;
	v4 =	vsel vm13, $0x1D4CE, v4  }
0xa: {  	v5 =	vsel vm13, $0x2BF34, v5;
	v8 =	vsel vm13, $0x3A99A, v8;
	v9 =	vsel vm13, $0x222F0, v9  }
0xb: {  	v10 =	vsel vm13, $0x30D56, v10;
	v0 =	vsel vm14, $0x29823, v0;
	v3 =	vsel vm14, $0x38289, v3  }
0xc: {  	v4 =	vsel vm14, $0x1FBDF, v4;
	v5 =	vsel vm14, $0x2E645, v5;
	v8 =	vsel vm14, $0x3D0AB, v8  }
0xd: {  	v9 =	vsel vm14, $0x24A01, v9;
	v10 =	vsel vm14, $0x33467, v10;
	v0 =	vsel vm12, $0x2BF34, v0  }
0xe: {  	v2 =	vadd.s32 $0xEA68, v12;
	v3 =	vsel vm12, $0x3A99A, v3;
	v4 =	vsel vm12, $0x222F0, v4  }
0xf: {  	v5 =	vsel vm12, $0x30D56, v5;
	v7 =	vadd.s32 $0x1388A, v12;
	v8 =	vsel vm12, $0x2, v8  }
0x10: {  	v9 =	vsel vm12, $0x27112, v9;
	v10 =	vsel vm12, $0x35B78, v10;
	v0 =	vsel vm11, $0x2E645, v0  }
0x11: {  	v3 =	vsel vm11, $0x3D0AB, v3;
	v4 =	vsel vm11, $0x24A01, v4;
	v5 =	vsel vm11, $0x33467, v5  }
0x12: {  	v8 =	vsel vm11, $0x2713, v8;
	v9 =	vsel vm11, $0x29823, v9;
	v10 =	vsel vm11, $0x38289, v10  }
0x13: {  	v0 =	vsel vm10, $0x30D56, v0;
	v3 =	vsel vm10, $0x2, v3;
	v4 =	vsel vm10, $0x27112, v4  }
0x14: {  	v5 =	vsel vm10, $0x35B78, v5;
	v8 =	vsel vm10, $0x4E24, v8;
	v9 =	vsel vm10, $0x2BF34, v9  }
0x15: {  	v10 =	vsel vm10, $0x3A99A, v10;
	v0 =	vsel vm9, $0x33467, v0;
	v3 =	vsel vm9, $0x2713, v3  }
0x16: {  	v4 =	vsel vm9, $0x29823, v4;
	v5 =	vsel vm9, $0x38289, v5;
	v8 =	vsel vm9, $0x7535, v8  }
0x17: {  	v9 =	vsel vm9, $0x2E645, v9;
	v10 =	vsel vm9, $0x3D0AB, v10;
	v0 =	vsel vm8, $0x35B78, v0  }
0x18: {  	v3 =	vsel vm8, $0x4E24, v3;
	v4 =	vsel vm8, $0x2BF34, v4;
	v5 =	vsel vm8, $0x3A99A, v5  }
0x19: {  	v8 =	vsel vm8, $0x9C46, v8;
	v9 =	vsel vm8, $0x30D56, v9;
	v10 =	vsel vm8, $0x2, v10  }
0x1a: {  	v0 =	vsel vm7, $0x38289, v0;
	v3 =	vsel vm7, $0x7535, v3;
	v4 =	vsel vm7, $0x2E645, v4  }
0x1b: {  	v5 =	vsel vm7, $0x3D0AB, v5;
	v8 =	vsel vm7, $0xC357, v8;
	v9 =	vsel vm7, $0x33467, v9  }
0x1c: {  	v10 =	vsel vm7, $0x2713, v10;
	v0 =	vsel vm6, $0x3A99A, v0;
	v3 =	vsel vm6, $0x9C46, v3  }
0x1d: {  	v4 =	vsel vm6, $0x30D56, v4;
	v5 =	vsel vm6, $0x2, v5;
	v8 =	vsel vm6, $0xEA68, v8  }
0x1e: {  	v9 =	vsel vm6, $0x35B78, v9;
	v10 =	vsel vm6, $0x4E24, v10;
	v0 =	vsel vm5, $0x3D0AB, v0  }
0x1f: {  	v3 =	vsel vm5, $0xC357, v3;
	v4 =	vsel vm5, $0x33467, v4;
	v5 =	vsel vm5, $0x2713, v5  }
0x20: {  	v8 =	vsel vm5, $0x11179, v8;
	v9 =	vsel vm5, $0x38289, v9;
	v10 =	vsel vm5, $0x7535, v10  }
0x21: {  	v0 =	vsel vm4, $0x2, v0;
	v3 =	vsel vm4, $0xEA68, v3;
	v4 =	vsel vm4, $0x35B78, v4  }
0x22: {  	v5 =	vsel vm4, $0x4E24, v5;
	v8 =	vsel vm4, $0x1388A, v8;
	v9 =	vsel vm4, $0x3A99A, v9  }
0x23: {  	v10 =	vsel vm4, $0x9C46, v10;
	v0 =	vsel vm3, $0x2713, v0;
	v3 =	vsel vm3, $0x11179, v3  }
0x24: {  	v4 =	vsel vm3, $0x38289, v4;
	v5 =	vsel vm3, $0x7535, v5;
	v8 =	vsel vm3, $0x15F9B, v8  }
0x25: {  	s1 =	srdreg.scid;
	s3 =	stileid.u32;
	v9 =	vsel vm3, $0x3D0AB, v9;
	v10 =	vsel vm3, $0xC357, v10;
	v1 =	vsel vm2, $0x4E24, v0  }
0x26: {  	s0 =	rddreg [dreg:$0x0];
	s1 =	sand.u32 $0x1, s1;
	s3 =	sshll.u32 s3, $0x1;
	v0 =	vadd.s32 $0x2, v12;
	v3 =	vsel vm2, $0x1388A, v3;
	v4 =	vsel vm2, $0x3A99A, v4  }
0x27: {  	s2 =	rddreg [dreg:$0x1];
	s3 =	sor.u32 s1, s3;
	v5 =	vsel vm2, $0x9C46, v5;
	v8 =	vsel vm2, $0x186AC, v8;
	v9 =	vsel vm2, $0x2, v9  }
0x28: {  	s5 =	simm.s32 $0x0;
	s1 =	ssub.s32 $0x2, s1;
	s3 =	smul.u32 $0x680, s3;
	v10 =	vsel vm2, $0xEA68, v10;
	v1 =	vsel vm0, $0x7535, v1;
	v3 =	vsel vm0, $0x15F9B, v3  }
0x29: {  	[smem:$0x7FF] =	sst s5;
	s4 =	sshrl.u32 s1, $0x1;
	v4 =	vsel vm0, $0x3D0AB, v4;
	v6 =	vsel vm0, $0xC357, v5;
	v5 =	vadd.s32 $0x4E24, v12  }
0x2a: {  	_ =	strace $0x80000047;
	s1 =	ssub.s32 s1, s4;
	s0 =	sadd.s32 s0, s3;
	v8 =	vsel vm0, $0x1ADBD, v8;
	v9 =	vsel vm0, $0x2713, v9;
	v11 =	vsel vm0, $0x11179, v10  }
0x2b: {  	s2 =	sadd.s32 s3, s2;
	s31 =	smax.u32 s1, $0x1;
	[dreg:$0x3] =	wrdreg s0;
	v10 =	vadd.s32 $0x9C46, v12;
	v12 =	vadd.s32 $0x186AC, v12;
	v1 =	vsel vm1, $0x9C46, v1  }
0x2c: {  	s30 =	sadd.s32 $0x800, s2;
	[dreg:$0x5] =	wrdreg s31;
	v3 =	vsel vm1, $0x186AC, v3;
	v4 =	vsel vm1, $0x2, v4;
	v6 =	vsel vm1, $0xEA68, v6  }
0x2d: {  	s6 =	simm.s32 $0x1;
	s8 =	simm.s32 $0x0;
	[dreg:$0x4] =	wrdreg s30;
	v8 =	vsel vm1, $0x1D4CE, v8;
	v9 =	vsel vm1, $0x4E24, v9;
	v11 =	vsel vm1, $0x1388A, v11  }
.LBB2_1:
0x2e: {  	s0 =	rddreg [dreg:$0x3]  }
0x2f: {  	[tilespmem:s5], [sflag:$0x1] =	stream.linear.gather [hbm4b:s0+s5], $0x3400, $0x38;
	[tilespmem:$0x6800] =	vst v63  }
0x30: {  	_ =	swait.ge [sflag:s6], $0x3400  }
0x31: {  	[sflag:s6] =	ssyncset.done $0x0  }
0x32: {  	s25 =	simm.s32 $0x60;
	[sflag:s6] =	ssyncadd.s32 $0xFFFFCC00  }
0x33: {  	v13 =	vld [tilespmem:s25+$0xFFFFFFA0];
	_ =	sdelay $0x4  }
0x34: {  	v14 =	vcvt.s32.f32 v13;
	_ =	sdelay $0x1  }
0x35: {  	v14 =	vmul.f32 $9.999999740e-05, v14;
	_ =	sdelay $0x1  }
0x36: {  	v14 =	vtrunc.f32 v14  }
0x37: {  	v14 =	vcvt.f32.s32 v14;
	_ =	sdelay $0x1  }
0x38: {  	v14 =	vmul.u32 $0xFFFFD8F0, v14;
	_ =	sdelay $0x1  }
0x39: {  	v14 =	vadd.s32 v14, v13  }
0x3a: {  	vm0 =	vgt.s32 v13, $0x0;
	v13 =	vadd.s32 v0, v14  }
0x3b: {  	s9 =	simm.s32 $0x3460;
	v13 =	vnsel vm0, $0x0, v13  }
0x3c: {  	[tilespmem:s9+$0xFFFFFFA0] =	vst v13  }
0x3d: {  	v13 =	vld [tilespmem:s25+$0xFFFFFFB0];
	_ =	sdelay $0x1  }
0x3e: {  	s23 =	simm.s32 $0x130  }
0x3f: {  	v14 =	vld [tilespmem:s23+$0xFFFFFFA0];
	_ =	sdelay $0x1  }
0x40: {  	v15 =	vcvt.s32.f32 v13;
	_ =	sdelay $0x1  }
0x41: {  	v15 =	vmul.f32 $9.999999740e-05, v15  }
0x42: {  	v16 =	vcvt.s32.f32 v14  }
0x43: {  	v15 =	vtrunc.f32 v15  }
0x44: {  	v16 =	vmul.f32 $9.999999740e-05, v16;
	v15 =	vcvt.f32.s32 v15;
	_ =	sdelay $0x1  }
0x45: {  	v16 =	vtrunc.f32 v16;
	v15 =	vmul.u32 $0xFFFFD8F0, v15  }
0x46: {  	v16 =	vcvt.f32.s32 v16  }
0x47: {  	v15 =	vadd.s32 v15, v13  }
0x48: {  	vm0 =	vgt.s32 v13, $0x0;
	v13 =	vadd.s32 v1, v15;
	v15 =	vmul.u32 $0xFFFFD8F0, v16  }
0x49: {  	v13 =	vnsel vm0, $0x0, v13  }
0x4a: {  	[tilespmem:s9+$0xFFFFFFB0] =	vst v13;
	v13 =	vadd.s32 v15, v14  }
0x4b: {  	vm0 =	vgt.s32 v14, $0x0;
	v15 =	vld [tilespmem:s25+$0xFFFFFFC0];
	v13 =	vadd.s32 v0, v13  }
0x4c: {  	s10 =	simm.s32 $0x3530;
	v13 =	vnsel vm0, $0x0, v13  }
0x4d: {  	[tilespmem:s10+$0xFFFFFFA0] =	vst v13  }
0x4e: {  	v13 =	vld [tilespmem:s23+$0xFFFFFFB0];
	_ =	sdelay $0x1  }
0x4f: {  	v14 =	vcvt.s32.f32 v15;
	_ =	sdelay $0x1  }
0x50: {  	v14 =	vmul.f32 $9.999999740e-05, v14  }
0x51: {  	v16 =	vcvt.s32.f32 v13  }
0x52: {  	v14 =	vtrunc.f32 v14  }
0x53: {  	s18 =	simm.s32 $0x200;
	v14 =	vcvt.f32.s32 v14;
	v16 =	vmul.f32 $9.999999740e-05, v16  }
0x54: {  	v17 =	vld [tilespmem:s18+$0xFFFFFFA0]  }
0x55: {  	v14 =	vmul.u32 $0xFFFFD8F0, v14;
	v16 =	vtrunc.f32 v16  }
0x56: {  	v16 =	vcvt.f32.s32 v16  }
0x57: {  	v14 =	vadd.s32 v14, v15  }
0x58: {  	vm0 =	vgt.s32 v15, $0x0;
	v14 =	vadd.s32 v2, v14;
	v15 =	vmul.u32 $0xFFFFD8F0, v16  }
0x59: {  	v16 =	vcvt.s32.f32 v17;
	v14 =	vnsel vm0, $0x0, v14  }
0x5a: {  	[tilespmem:s9+$0xFFFFFFC0] =	vst v14;
	v14 =	vadd.s32 v15, v13  }
0x5b: {  	vm0 =	vgt.s32 v13, $0x0;
	v13 =	vadd.s32 v1, v14;
	v14 =	vmul.f32 $9.999999740e-05, v16  }
0x5c: {  	v15 =	vld [tilespmem:s25+$0xFFFFFFD0];
	v13 =	vnsel vm0, $0x0, v13  }
0x5d: {  	[tilespmem:s10+$0xFFFFFFB0] =	vst v13;
	v13 =	vtrunc.f32 v14  }
0x5e: {  	v14 =	vld [tilespmem:s23+$0xFFFFFFC0];
	v13 =	vcvt.f32.s32 v13;
	_ =	sdelay $0x1  }
0x5f: {  	s16 =	simm.s32 $0x2D0;
	v13 =	vmul.u32 $0xFFFFD8F0, v13  }
0x60: {  	v18 =	vld [tilespmem:s16+$0xFFFFFFA0];
	v16 =	vcvt.s32.f32 v15  }
0x61: {  	vm0 =	vgt.s32 v17, $0x0;
	v13 =	vadd.s32 v13, v17  }
0x62: {  	v16 =	vmul.f32 $9.999999740e-05, v16;
	v19 =	vcvt.s32.f32 v14;
	v13 =	vadd.s32 v0, v13  }
0x63: {  	s11 =	simm.s32 $0x3600;
	v13 =	vnsel vm0, $0x0, v13  }
0x64: {  	v16 =	vtrunc.f32 v16;
	v17 =	vmul.f32 $9.999999740e-05, v19;
	[tilespmem:s11+$0xFFFFFFA0] =	vst v13  }
0x65: {  	v13 =	vcvt.s32.f32 v18;
	v16 =	vcvt.f32.s32 v16;
	v19 =	vld [tilespmem:s18+$0xFFFFFFB0];
	_ =	sdelay $0x1  }
0x66: {  	v17 =	vtrunc.f32 v17;
	v13 =	vmul.f32 $9.999999740e-05, v13;
	v16 =	vmul.u32 $0xFFFFD8F0, v16  }
0x67: {  	v17 =	vcvt.f32.s32 v17  }
0x68: {  	s14 =	simm.s32 $0x3A0;
	v13 =	vtrunc.f32 v13;
	v16 =	vadd.s32 v16, v15  }
0x69: {  	v21 =	vld [tilespmem:s14+$0xFFFFFFA0];
	v17 =	vmul.u32 $0xFFFFD8F0, v17;
	v13 =	vcvt.f32.s32 v13;
	v20 =	vcvt.s32.f32 v19  }
0x6a: {  	vm1 =	vgt.s32 v15, $0x0;
	vm0 =	vgt.s32 v14, $0x0;
	v15 =	vadd.s32 v3, v16  }
0x6b: {  	v14 =	vadd.s32 v17, v14;
	v13 =	vmul.u32 $0xFFFFD8F0, v13;
	v17 =	vmul.f32 $9.999999740e-05, v20  }
0x6c: {  	v15 =	vnsel vm1, $0x0, v15  }
0x6d: {  	vm1 =	vgt.s32 v18, $0x0;
	[tilespmem:s9+$0xFFFFFFD0] =	vst v15;
	v13 =	vadd.s32 v13, v18;
	v16 =	vtrunc.f32 v17  }
0x6e: {  	v13 =	vadd.s32 v0, v13;
	v17 =	vld [tilespmem:s25+$0xFFFFFFE0];
	v15 =	vcvt.f32.s32 v16;
	v16 =	vcvt.s32.f32 v21  }
0x6f: {  	s12 =	simm.s32 $0x36D0;
	v14 =	vadd.s32 v2, v14;
	v13 =	vnsel vm1, $0x0, v13  }
0x70: {  	v14 =	vnsel vm0, $0x0, v14;
	[tilespmem:s12+$0xFFFFFFA0] =	vst v13;
	v13 =	vmul.u32 $0xFFFFD8F0, v15;
	v15 =	vmul.f32 $9.999999740e-05, v16  }
0x71: {  	[tilespmem:s10+$0xFFFFFFC0] =	vst v14;
	v14 =	vld [tilespmem:s16+$0xFFFFFFB0]  }
0x72: {  	v16 =	vld [tilespmem:s23+$0xFFFFFFD0];
	v15 =	vtrunc.f32 v15  }
0x73: {  	v13 =	vadd.s32 v13, v19;
	v18 =	vcvt.s32.f32 v17;
	v15 =	vcvt.f32.s32 v15  }
0x74: {  	vm0 =	vgt.s32 v19, $0x0;
	v13 =	vadd.s32 v1, v13  }
0x75: {  	s17 =	simm.s32 $0x470;
	v13 =	vnsel vm0, $0x0, v13;
	v18 =	vmul.f32 $9.999999740e-05, v18;
	v15 =	vmul.u32 $0xFFFFD8F0, v15  }
0x76: {  	vm0 =	vgt.s32 v21, $0x0;
	v19 =	vcvt.s32.f32 v14;
	[tilespmem:s11+$0xFFFFFFB0] =	vst v13;
	v13 =	vld [tilespmem:s17+$0xFFFFFFA0]  }
0x77: {  	v20 =	vcvt.s32.f32 v16;
	v22 =	vld [tilespmem:s18+$0xFFFFFFC0];
	v18 =	vtrunc.f32 v18;
	v15 =	vadd.s32 v15, v21  }
0x78: {  	v19 =	vmul.f32 $9.999999740e-05, v19;
	v18 =	vcvt.f32.s32 v18;
	v15 =	vadd.s32 v0, v15  }
0x79: {  	s13 =	simm.s32 $0x37A0;
	v15 =	vnsel vm0, $0x0, v15  }
0x7a: {  	v20 =	vmul.f32 $9.999999740e-05, v20;
	v19 =	vtrunc.f32 v19;
	[tilespmem:s13+$0xFFFFFFA0] =	vst v15;
	v15 =	vmul.u32 $0xFFFFD8F0, v18  }
0x7b: {  	vm0 =	vgt.s32 v17, $0x0;
	v19 =	vcvt.f32.s32 v19;
	v21 =	vcvt.s32.f32 v13  }
0x7c: {  	v18 =	vtrunc.f32 v20;
	v20 =	vld [tilespmem:s14+$0xFFFFFFB0];
	v23 =	vcvt.s32.f32 v22;
	v15 =	vadd.s32 v15, v17  }
0x7d: {  	v19 =	vmul.u32 $0xFFFFD8F0, v19;
	v17 =	vmul.f32 $9.999999740e-05, v21;
	v15 =	vadd.s32 v4, v15  }
0x7e: {  	v18 =	vcvt.f32.s32 v18;
	v21 =	vmul.f32 $9.999999740e-05, v23;
	v15 =	vnsel vm0, $0x0, v15  }
0x7f: {  	v19 =	vadd.s32 v19, v14;
	vm0 =	vgt.s32 v14, $0x0;
	v14 =	vtrunc.f32 v17;
	[tilespmem:s9+$0xFFFFFFE0] =	vst v15  }
0x80: {  	v18 =	vmul.u32 $0xFFFFD8F0, v18;
	v15 =	vadd.s32 v1, v19;
	v14 =	vcvt.f32.s32 v14;
	v19 =	vld [tilespmem:s25+$0xFFFFFFF0]  }
0x81: {  	v21 =	vtrunc.f32 v21;
	v17 =	vcvt.s32.f32 v20;
	v15 =	vnsel vm0, $0x0, v15  }
0x82: {  	v21 =	vcvt.f32.s32 v21;
	[tilespmem:s12+$0xFFFFFFB0] =	vst v15;
	v14 =	vmul.u32 $0xFFFFD8F0, v14  }
0x83: {  	v15 =	vmul.f32 $9.999999740e-05, v17;
	v17 =	vadd.s32 v18, v16;
	v18 =	vld [tilespmem:s16+$0xFFFFFFC0]  }
0x84: {  	vm0 =	vgt.s32 v13, $0x0;
	v21 =	vmul.u32 $0xFFFFD8F0, v21;
	v14 =	vadd.s32 v14, v13  }
0x85: {  	v15 =	vtrunc.f32 v15;
	v13 =	vadd.s32 v0, v14;
	v14 =	vcvt.s32.f32 v19  }
0x86: {  	s15 =	simm.s32 $0x3870;
	v21 =	vadd.s32 v21, v22;
	v15 =	vcvt.f32.s32 v15;
	v13 =	vnsel vm0, $0x0, v13  }
0x87: {  	vm0 =	vgt.s32 v22, $0x0;
	v21 =	vadd.s32 v2, v21;
	[tilespmem:s15+$0xFFFFFFA0] =	vst v13;
	v13 =	vmul.f32 $9.999999740e-05, v14  }
0x88: {  	v14 =	vnsel vm0, $0x0, v21;
	v21 =	vcvt.s32.f32 v18;
	v15 =	vmul.u32 $0xFFFFD8F0, v15;
	v22 =	vld [tilespmem:s17+$0xFFFFFFB0]  }
0x89: {  	vm0 =	vgt.s32 v16, $0x0;
	v16 =	vadd.s32 v3, v17;
	v13 =	vtrunc.f32 v13  }
0x8a: {  	[tilespmem:s11+$0xFFFFFFC0] =	vst v14;
	v14 =	vnsel vm0, $0x0, v16;
	v13 =	vcvt.f32.s32 v13  }
0x8b: {  	v16 =	vld [tilespmem:s18+$0xFFFFFFD0];
	v17 =	vmul.f32 $9.999999740e-05, v21;
	v15 =	vadd.s32 v15, v20;
	[tilespmem:s10+$0xFFFFFFD0] =	vst v14  }
0x8c: {  	vm0 =	vgt.s32 v20, $0x0;
	v14 =	vadd.s32 v1, v15;
	v15 =	vld [tilespmem:s23+$0xFFFFFFE0];
	v13 =	vmul.u32 $0xFFFFD8F0, v13  }
0x8d: {  	s20 =	simm.s32 $0x540;
	v17 =	vtrunc.f32 v17;
	v14 =	vnsel vm0, $0x0, v14;
	v20 =	vcvt.s32.f32 v22  }
0x8e: {  	v17 =	vcvt.f32.s32 v17;
	[tilespmem:s13+$0xFFFFFFB0] =	vst v14;
	v14 =	vld [tilespmem:s20+$0xFFFFFFA0];
	v13 =	vadd.s32 v13, v19  }
0x8f: {  	vm0 =	vgt.s32 v19, $0x0;
	v21 =	vld [tilespmem:s14+$0xFFFFFFC0];
	v19 =	vmul.f32 $9.999999740e-05, v20;
	v13 =	vadd.s32 v5, v13  }
0x90: {  	v20 =	vcvt.s32.f32 v16;
	v17 =	vmul.u32 $0xFFFFD8F0, v17;
	v13 =	vnsel vm0, $0x0, v13  }
0x91: {  	v19 =	vtrunc.f32 v19;
	[tilespmem:s9+$0xFFFFFFF0] =	vst v13;
	v13 =	vcvt.s32.f32 v15  }
0x92: {  	vm0 =	vgt.s32 v18, $0x0;
	v17 =	vadd.s32 v17, v18;
	v19 =	vcvt.f32.s32 v19;
	v23 =	vld [tilespmem:s25+$0x0]  }
0x93: {  	v18 =	vcvt.s32.f32 v14;
	v17 =	vadd.s32 v2, v17;
	v13 =	vmul.f32 $9.999999740e-05, v13  }
0x94: {  	v20 =	vmul.f32 $9.999999740e-05, v20;
	v24 =	vcvt.s32.f32 v21;
	v17 =	vnsel vm0, $0x0, v17  }
0x95: {  	v19 =	vmul.u32 $0xFFFFD8F0, v19;
	v18 =	vmul.f32 $9.999999740e-05, v18;
	v13 =	vtrunc.f32 v13  }
0x96: {  	vm0 =	vgt.s32 v22, $0x0;
	v24 =	vmul.f32 $9.999999740e-05, v24;
	v13 =	vcvt.f32.s32 v13  }
0x97: {  	v19 =	vadd.s32 v19, v22;
	v18 =	vtrunc.f32 v18;
	v22 =	vcvt.s32.f32 v23  }
0x98: {  	v19 =	vadd.s32 v1, v19;
	v18 =	vcvt.f32.s32 v18;
	v13 =	vmul.u32 $0xFFFFD8F0, v13  }
0x99: {  	v24 =	vtrunc.f32 v24;
	v19 =	vnsel vm0, $0x0, v19;
	v22 =	vmul.f32 $9.999999740e-05, v22  }
0x9a: {  	v24 =	vcvt.f32.s32 v24;
	[tilespmem:s15+$0xFFFFFFB0] =	vst v19;
	v18 =	vmul.u32 $0xFFFFD8F0, v18;
	v13 =	vadd.s32 v13, v15  }
0x9b: {  	vm0 =	vgt.s32 v15, $0x0;
	v19 =	vld [tilespmem:s17+$0xFFFFFFC0];
	v13 =	vadd.s32 v4, v13;
	v15 =	vtrunc.f32 v22  }
0x9c: {  	[tilespmem:s12+$0xFFFFFFC0] =	vst v17;
	v18 =	vadd.s32 v18, v14;
	v13 =	vnsel vm0, $0x0, v13;
	v17 =	vcvt.f32.s32 v15  }
0x9d: {  	v22 =	vmul.u32 $0xFFFFD8F0, v24;
	vm0 =	vgt.s32 v14, $0x0;
	[tilespmem:s10+$0xFFFFFFE0] =	vst v13;
	v13 =	vadd.s32 v0, v18  }
0x9e: {  	s19 =	simm.s32 $0x3940;
	v14 =	vtrunc.f32 v20;
	v18 =	vld [tilespmem:s23+$0xFFFFFFF0];
	v13 =	vnsel vm0, $0x0, v13;
	v17 =	vmul.u32 $0xFFFFD8F0, v17  }
0x9f: {  	v14 =	vcvt.f32.s32 v14;
	v20 =	vadd.s32 v22, v21;
	vm0 =	vgt.s32 v21, $0x0;
	[tilespmem:s19+$0xFFFFFFA0] =	vst v13  }
0xa0: {  	v13 =	vadd.s32 v2, v20;
	v20 =	vcvt.s32.f32 v19;
	v21 =	vld [tilespmem:s20+$0xFFFFFFB0];
	v17 =	vadd.s32 v17, v23  }
0xa1: {  	v13 =	vnsel vm0, $0x0, v13;
	vm0 =	vgt.s32 v23, $0x0;
	v17 =	vadd.s32 v6, v17  }
0xa2: {  	[tilespmem:s13+$0xFFFFFFC0] =	vst v13;
	v13 =	vmul.f32 $9.999999740e-05, v20;
	v17 =	vnsel vm0, $0x0, v17  }
0xa3: {  	v15 =	vld [tilespmem:s16+$0xFFFFFFD0];
	v20 =	vmul.u32 $0xFFFFD8F0, v14;
	v23 =	vcvt.s32.f32 v18;
	[tilespmem:s9+$0x0] =	vst v17  }
0xa4: {  	v13 =	vtrunc.f32 v13;
	v24 =	vld [tilespmem:s25+$0x10]  }
0xa5: {  	v17 =	vadd.s32 v20, v16;
	v20 =	vmul.f32 $9.999999740e-05, v23;
	v23 =	vcvt.s32.f32 v21  }
0xa6: {  	v14 =	vld [tilespmem:s14+$0xFFFFFFD0];
	vm0 =	vgt.s32 v16, $0x0;
	v13 =	vcvt.f32.s32 v13;
	v16 =	vadd.s32 v3, v17  }
0xa7: {  	v16 =	vnsel vm0, $0x0, v16;
	v17 =	vtrunc.f32 v20;
	v20 =	vmul.f32 $9.999999740e-05, v23  }
0xa8: {  	v22 =	vcvt.s32.f32 v15;
	v13 =	vmul.u32 $0xFFFFD8F0, v13;
	[tilespmem:s11+$0xFFFFFFD0] =	vst v16;
	v17 =	vcvt.f32.s32 v17  }
0xa9: {  	vm0 =	vgt.s32 v19, $0x0;
	v16 =	vtrunc.f32 v20;
	v20 =	vld [tilespmem:s18+$0xFFFFFFE0];
	v25 =	vcvt.s32.f32 v24  }
0xaa: {  	v13 =	vadd.s32 v13, v19;
	v17 =	vmul.u32 $0xFFFFD8F0, v17;
	v16 =	vcvt.f32.s32 v16  }
0xab: {  	v23 =	vcvt.s32.f32 v14;
	v13 =	vadd.s32 v2, v13;
	v19 =	vmul.f32 $9.999999740e-05, v25  }
0xac: {  	v13 =	vnsel vm0, $0x0, v13;
	v17 =	vadd.s32 v17, v18;
	v16 =	vmul.u32 $0xFFFFD8F0, v16  }
0xad: {  	s21 =	simm.s32 $0x610;
	vm0 =	vgt.s32 v18, $0x0;
	v17 =	vadd.s32 v5, v17;
	v18 =	vtrunc.f32 v19  }
0xae: {  	v25 =	vld [tilespmem:s21+$0xFFFFFFA0];
	v16 =	vadd.s32 v16, v21;
	v18 =	vcvt.f32.s32 v18;
	v19 =	vcvt.s32.f32 v20  }
0xaf: {  	[tilespmem:s15+$0xFFFFFFC0] =	vst v13;
	v13 =	vnsel vm0, $0x0, v17;
	vm0 =	vgt.s32 v21, $0x0;
	v16 =	vadd.s32 v1, v16  }
0xb0: {  	[tilespmem:s10+$0xFFFFFFF0] =	vst v13;
	v13 =	vnsel vm0, $0x0, v16;
	v16 =	vmul.u32 $0xFFFFD8F0, v18;
	v18 =	vmul.f32 $9.999999740e-05, v19  }
0xb1: {  	v22 =	vmul.f32 $9.999999740e-05, v22;
	v21 =	vmul.f32 $9.999999740e-05, v23;
	[tilespmem:s19+$0xFFFFFFB0] =	vst v13  }
0xb2: {  	vm0 =	vgt.s32 v24, $0x0;
	v13 =	vld [tilespmem:s20+$0xFFFFFFC0];
	v16 =	vadd.s32 v16, v24;
	v18 =	vtrunc.f32 v18  }
0xb3: {  	v17 =	vld [tilespmem:s17+$0xFFFFFFD0];
	v23 =	vcvt.s32.f32 v25;
	v16 =	vadd.s32 v7, v16;
	v18 =	vcvt.f32.s32 v18  }
0xb4: {  	v16 =	vnsel vm0, $0x0, v16  }
0xb5: {  	v19 =	vtrunc.f32 v22;
	v22 =	vld [tilespmem:s23+$0x0];
	[tilespmem:s9+$0x10] =	vst v16;
	v16 =	vmul.u32 $0xFFFFD8F0, v18;
	v18 =	vmul.f32 $9.999999740e-05, v23  }
0xb6: {  	s24 =	simm.s32 $0x0;
	v21 =	vtrunc.f32 v21;
	v19 =	vcvt.f32.s32 v19;
	vm0 =	vgt.s32 v20, $0x0  }
0xb7: {  	s0 =	sand.u32 $0x3FF0, s24;
	v27 =	vcvt.s32.f32 v13;
	v16 =	vadd.s32 v16, v20;
	v18 =	vtrunc.f32 v18  }
0xb8: {  	v23 =	vcvt.s32.f32 v17;
	v26 =	vld [tilespmem:s0+$0x80];
	v16 =	vadd.s32 v4, v16;
	v18 =	vcvt.f32.s32 v18  }
0xb9: {  	v20 =	vcvt.f32.s32 v21;
	v21 =	vmul.f32 $9.999999740e-05, v27;
	v16 =	vnsel vm0, $0x0, v16  }
0xba: {  	v24 =	vcvt.s32.f32 v22;
	[tilespmem:s11+$0xFFFFFFE0] =	vst v16;
	v16 =	vmul.u32 $0xFFFFD8F0, v18  }
0xbb: {  	v23 =	vmul.f32 $9.999999740e-05, v23;
	v18 =	vmul.u32 $0xFFFFD8F0, v19;
	v19 =	vtrunc.f32 v21;
	v27 =	vld [tilespmem:s18+$0xFFFFFFF0]  }
0xbc: {  	v24 =	vmul.f32 $9.999999740e-05, v24;
	v19 =	vcvt.f32.s32 v19;
	v16 =	vadd.s32 v16, v25  }
0xbd: {  	vm0 =	vgt.s32 v25, $0x0;
	v21 =	vcvt.s32.f32 v26;
	v16 =	vadd.s32 v0, v16  }
0xbe: {  	s22 =	simm.s32 $0x3A10;
	v24 =	vtrunc.f32 v24;
	v19 =	vmul.u32 $0xFFFFD8F0, v19;
	v16 =	vnsel vm0, $0x0, v16  }
0xbf: {  	v24 =	vcvt.f32.s32 v24;
	v21 =	vmul.f32 $9.999999740e-05, v21;
	[tilespmem:s22+$0xFFFFFFA0] =	vst v16  }
0xc0: {  	v18 =	vadd.s32 v18, v15;
	v16 =	vadd.s32 v19, v13;
	v19 =	vcvt.s32.f32 v27;
	v25 =	vld [tilespmem:s21+$0xFFFFFFB0]  }
0xc1: {  	v24 =	vmul.u32 $0xFFFFD8F0, v24;
	vm0 =	vgt.s32 v13, $0x0;
	v21 =	vtrunc.f32 v21  }
0xc2: {  	v13 =	vcvt.f32.s32 v21;
	v16 =	vadd.s32 v2, v16;
	v19 =	vmul.f32 $9.999999740e-05, v19  }
0xc3: {  	v21 =	vadd.s32 v24, v22;
	v16 =	vnsel vm0, $0x0, v16;
	vm0 =	vgt.s32 v22, $0x0  }
0xc4: {  	[tilespmem:s19+$0xFFFFFFC0] =	vst v16;
	v16 =	vadd.s32 v6, v21;
	v21 =	vmul.u32 $0xFFFFD8F0, v13;
	v19 =	vtrunc.f32 v19  }
0xc5: {  	v13 =	vld [tilespmem:s20+$0xFFFFFFD0];
	v16 =	vnsel vm0, $0x0, v16;
	v19 =	vcvt.f32.s32 v19;
	v22 =	vcvt.s32.f32 v25  }
0xc6: {  	vm0 =	vgt.s32 v15, $0x0;
	[tilespmem:s10+$0x0] =	vst v16;
	v15 =	vadd.s32 v21, v26;
	v16 =	vadd.s32 v3, v18  }
0xc7: {  	v21 =	vld [tilespmem:s23+$0x10];
	v16 =	vnsel vm0, $0x0, v16;
	v18 =	vmul.u32 $0xFFFFD8F0, v19;
	v19 =	vmul.f32 $9.999999740e-05, v22  }
0xc8: {  	v23 =	vtrunc.f32 v23;
	vm0 =	vgt.s32 v26, $0x0;
	v15 =	vadd.s32 v8, v15;
	[tilespmem:s12+$0xFFFFFFD0] =	vst v16  }
0xc9: {  	v20 =	vmul.u32 $0xFFFFD8F0, v20;
	v15 =	vnsel vm0, $0x0, v15;
	v22 =	vld [tilespmem:s16+$0xFFFFFFE0];
	v19 =	vtrunc.f32 v19  }
0xca: {  	v16 =	vadd.s32 v18, v27;
	v18 =	vcvt.s32.f32 v13;
	v19 =	vcvt.f32.s32 v19  }
0xcb: {  	v23 =	vcvt.f32.s32 v23;
	vm1 =	vgt.s32 v27, $0x0;
	[tilespmem:s0+$0x3480] =	vst v15;
	v16 =	vadd.s32 v5, v16  }
0xcc: {  	v24 =	vld [tilespmem:s25+$0x30];
	v15 =	vmul.f32 $9.999999740e-05, v18;
	v18 =	vcvt.s32.f32 v21;
	v19 =	vmul.u32 $0xFFFFD8F0, v19  }
0xcd: {  	v20 =	vadd.s32 v20, v14;
	vm0 =	vgt.s32 v25, $0x0;
	v16 =	vnsel vm1, $0x0, v16  }
0xce: {  	[tilespmem:s11+$0xFFFFFFF0] =	vst v16;
	v18 =	vmul.f32 $9.999999740e-05, v18;
	v26 =	vcvt.s32.f32 v22;
	v19 =	vadd.s32 v19, v25  }
0xcf: {  	s24 =	simm.s32 $0x6E0;
	v16 =	vmul.u32 $0xFFFFD8F0, v23;
	v15 =	vtrunc.f32 v15;
	v23 =	vld [tilespmem:s18+$0x0];
	v19 =	vadd.s32 v1, v19  }
0xd0: {  	v25 =	vld [tilespmem:s24+$0xFFFFFFA0];
	v18 =	vtrunc.f32 v18;
	v26 =	vmul.f32 $9.999999740e-05, v26;
	v19 =	vnsel vm0, $0x0, v19  }
0xd1: {  	v20 =	vadd.s32 v3, v20;
	v18 =	vcvt.f32.s32 v18;
	[tilespmem:s22+$0xFFFFFFB0] =	vst v19;
	v19 =	vcvt.s32.f32 v24  }
0xd2: {  	vm1 =	vgt.s32 v21, $0x0;
	v15 =	vcvt.f32.s32 v15;
	vm0 =	vgt.s32 v14, $0x0;
	v27 =	vld [tilespmem:s21+$0xFFFFFFC0]  }
0xd3: {  	v26 =	vtrunc.f32 v26;
	v18 =	vmul.u32 $0xFFFFD8F0, v18;
	v14 =	vmul.f32 $9.999999740e-05, v19  }
0xd4: {  	v15 =	vmul.u32 $0xFFFFD8F0, v15;
	v28 =	vcvt.s32.f32 v23;
	v19 =	vcvt.f32.s32 v26  }
0xd5: {  	v18 =	vadd.s32 v18, v21;
	v21 =	vcvt.s32.f32 v25;
	v14 =	vtrunc.f32 v14  }
0xd6: {  	v18 =	vadd.s32 v7, v18;
	v19 =	vmul.u32 $0xFFFFD8F0, v19;
	v14 =	vcvt.f32.s32 v14  }
0xd7: {  	s26 =	simm.s32 $0xD0;
	v18 =	vnsel vm1, $0x0, v18;
	v21 =	vmul.f32 $9.999999740e-05, v21;
	v26 =	vcvt.s32.f32 v27  }
0xd8: {  	s0 =	sand.u32 $0x3FF0, s26;
	vm1 =	vgt.s32 v22, $0x0;
	[tilespmem:s10+$0x10] =	vst v18;
	v18 =	vadd.s32 v19, v22;
	v14 =	vmul.u32 $0xFFFFD8F0, v14  }
0xd9: {  	v19 =	vld [tilespmem:s0+$0x80];
	v18 =	vadd.s32 v4, v18;
	v21 =	vtrunc.f32 v21;
	v22 =	vmul.f32 $9.999999740e-05, v26  }
0xda: {  	v18 =	vnsel vm1, $0x0, v18;
	v21 =	vcvt.f32.s32 v21;
	vm1 =	vgt.s32 v24, $0x0  }
0xdb: {  	v26 =	vmul.f32 $9.999999740e-05, v28;
	v14 =	vadd.s32 v14, v24;
	[tilespmem:s12+$0xFFFFFFE0] =	vst v18;
	v18 =	vtrunc.f32 v22  }
0xdc: {  	v22 =	vadd.s32 v9, v14;
	v24 =	vld [tilespmem:s16+$0xFFFFFFF0];
	v21 =	vmul.u32 $0xFFFFD8F0, v21;
	v14 =	vadd.s32 v15, v13  }
0xdd: {  	v15 =	vnsel vm1, $0x0, v22;
	v18 =	vcvt.f32.s32 v18;
	vm1 =	vgt.s32 v25, $0x0  }
0xde: {  	v22 =	vcvt.s32.f32 v19;
	[tilespmem:s9+$0x30] =	vst v15;
	v15 =	vtrunc.f32 v26;
	v21 =	vadd.s32 v21, v25  }
0xdf: {  	v26 =	vld [tilespmem:s25+$0x40];
	v18 =	vmul.u32 $0xFFFFD8F0, v18;
	v21 =	vadd.s32 v0, v21;
	v15 =	vcvt.f32.s32 v15  }
0xe0: {  	s7 =	simm.s32 $0x3AE0;
	v22 =	vmul.f32 $9.999999740e-05, v22;
	v21 =	vnsel vm1, $0x0, v21;
	vm1 =	vgt.s32 v27, $0x0  }
0xe1: {  	v18 =	vadd.s32 v18, v27;
	v25 =	vcvt.s32.f32 v24;
	[tilespmem:s7+$0xFFFFFFA0] =	vst v21;
	v15 =	vmul.u32 $0xFFFFD8F0, v15  }
0xe2: {  	vm2 =	vgt.s32 v24, $0x0;
	v21 =	vtrunc.f32 v22;
	v18 =	vadd.s32 v2, v18;
	v27 =	vld [tilespmem:s24+$0xFFFFFFB0]  }
0xe3: {  	v21 =	vcvt.f32.s32 v21;
	v18 =	vnsel vm1, $0x0, v18;
	v22 =	vmul.f32 $9.999999740e-05, v25  }
0xe4: {  	vm1 =	vgt.s32 v23, $0x0;
	v23 =	vadd.s32 v15, v23;
	[tilespmem:s22+$0xFFFFFFC0] =	vst v18;
	v18 =	vcvt.s32.f32 v26  }
0xe5: {  	v23 =	vadd.s32 v6, v23;
	v21 =	vmul.u32 $0xFFFFD8F0, v21;
	v22 =	vtrunc.f32 v22;
	v15 =	vld [tilespmem:s21+$0xFFFFFFD0]  }
0xe6: {  	v23 =	vnsel vm1, $0x0, v23;
	v18 =	vmul.f32 $9.999999740e-05, v18;
	v22 =	vcvt.f32.s32 v22  }
0xe7: {  	vm1 =	vgt.s32 v19, $0x0;
	[tilespmem:s11+$0x0] =	vst v23;
	v19 =	vadd.s32 v21, v19;
	v21 =	vcvt.s32.f32 v27  }
0xe8: {  	v23 =	vld [tilespmem:s18+$0x10];
	v19 =	vadd.s32 v8, v19;
	v22 =	vmul.u32 $0xFFFFD8F0, v22;
	v18 =	vtrunc.f32 v18  }
0xe9: {  	v18 =	vcvt.f32.s32 v18;
	v21 =	vmul.f32 $9.999999740e-05, v21;
	v19 =	vnsel vm1, $0x0, v19  }
0xea: {  	v22 =	vadd.s32 v22, v24;
	v24 =	vcvt.s32.f32 v15;
	[tilespmem:s0+$0x3480] =	vst v19;
	v19 =	vnsel vm0, $0x0, v20  }
0xeb: {  	vm0 =	vgt.s32 v26, $0x0;
	v18 =	vmul.u32 $0xFFFFD8F0, v18;
	v21 =	vtrunc.f32 v21  }
0xec: {  	v22 =	vadd.s32 v5, v22;
	[tilespmem:s13+$0xFFFFFFD0] =	vst v19;
	v21 =	vcvt.f32.s32 v21;
	v19 =	vmul.f32 $9.999999740e-05, v24  }
0xed: {  	v20 =	vld [tilespmem:s23+$0x30];
	v24 =	vnsel vm2, $0x0, v22;
	v25 =	vcvt.s32.f32 v23;
	v18 =	vadd.s32 v18, v26  }
0xee: {  	v22 =	vld [tilespmem:s14+$0xFFFFFFE0];
	[tilespmem:s12+$0xFFFFFFF0] =	vst v24;
	v21 =	vmul.u32 $0xFFFFD8F0, v21;
	v24 =	vadd.s32 v10, v18;
	v19 =	vtrunc.f32 v19  }
0xef: {  	v18 =	vld [tilespmem:s16+$0x0];
	v25 =	vmul.f32 $9.999999740e-05, v25;
	v24 =	vnsel vm0, $0x0, v24;
	v19 =	vcvt.f32.s32 v19  }
0xf0: {  	vm0 =	vgt.s32 v27, $0x0;
	v21 =	vadd.s32 v21, v27;
	[tilespmem:s9+$0x40] =	vst v24  }
0xf1: {  	s2 =	simm.s32 $0x1A0;
	v25 =	vtrunc.f32 v25;
	v21 =	vadd.s32 v1, v21;
	v26 =	vmul.u32 $0xFFFFD8F0, v19;
	v19 =	vld [tilespmem:s25+$0x50]  }
0xf2: {  	s1 =	simm.s32 $0x340;
	s31 =	simm.s32 $0x410;
	s30 =	simm.s32 $0x4E0;
	v16 =	vadd.s32 v16, v17;
	v27 =	vcvt.f32.s32 v25;
	v21 =	vnsel vm0, $0x0, v21  }
0xf3: {  	s28 =	simm.s32 $0x5B0;
	s3 =	simm.s32 $0x680;
	s4 =	simm.s32 $0x7B0;
	v24 =	vcvt.s32.f32 v20;
	v25 =	vcvt.s32.f32 v22;
	vm0 =	vgt.s32 v17, $0x0;
	[tilespmem:s7+$0xFFFFFFB0] =	vst v21  }
0xf4: {  	s29 =	simm.s32 $0x680;
	s26 =	simm.s32 $0x3AE0;
	s0 =	simm.s32 $0x270;
	v17 =	vadd.s32 v26, v15;
	v26 =	vcvt.s32.f32 v18;
	v27 =	vmul.u32 $0xFFFFD8F0, v27;
	v21 =	vld [tilespmem:s24+$0xFFFFFFC0]  }
.LBB2_2:
0xf5: {  	s3 =	sadd.s32 $0xD0, s3;
	v28 =	vld [tilespmem:s4+$0xFFFFFFA0];
	v25 =	vmul.f32 $9.999999740e-05, v25;
	vm2 =	vgt.s32 v23, $0x0;
	vm1 =	vgt.s32 v20, $0x0  }
0xf6: {  	p0 =	slt.u32 s3, $0x3330;
	v26 =	vmul.f32 $9.999999740e-05, v26;
	v23 =	vadd.s32 v27, v23;
	v27 =	vcvt.s32.f32 v19  }
0xf7: {  	v24 =	vmul.f32 $9.999999740e-05, v24;
	v25 =	vtrunc.f32 v25;
	v23 =	vadd.s32 v7, v23  }
0xf8: {  	v25 =	vcvt.f32.s32 v25;
	v23 =	vnsel vm2, $0x0, v23;
	v27 =	vmul.f32 $9.999999740e-05, v27  }
0xf9: {  	s5 =	sand.u32 $0x3FF0, s2;
	s2 =	smov.u32 s0;
	s0 =	smov.u32 s1;
	vm2 =	vgt.s32 v19, $0x0;
	v29 =	vcvt.s32.f32 v21;
	[tilespmem:s11+$0x10] =	vst v23;
	v23 =	vtrunc.f32 v24  }
0xfa: {  	s1 =	smov.u32 s31;
	s31 =	smov.u32 s30;
	s30 =	smov.u32 s28;
	v24 =	vmul.u32 $0xFFFFD8F0, v25;
	v25 =	vld [tilespmem:s5+$0x80];
	v23 =	vcvt.f32.s32 v23;
	v27 =	vtrunc.f32 v27  }
0xfb: {  	vm3 =	vgt.s32 v22, $0x0;
	s28 =	smov.u32 s29;
	s29 =	smov.u32 s3;
	v29 =	vmul.f32 $9.999999740e-05, v29;
	v27 =	vcvt.f32.s32 v27  }
0xfc: {  	v30 =	vcvt.s32.f32 v28;
	v22 =	vadd.s32 v24, v22;
	v23 =	vmul.u32 $0xFFFFD8F0, v23  }
0xfd: {  	v24 =	vtrunc.f32 v29;
	v22 =	vadd.s32 v4, v22;
	v27 =	vmul.u32 $0xFFFFD8F0, v27  }
0xfe: {  	v29 =	vmul.f32 $9.999999740e-05, v30;
	v22 =	vnsel vm3, $0x0, v22;
	v20 =	vadd.s32 v23, v20  }
0xff: {  	[tilespmem:s13+$0xFFFFFFE0] =	vst v22;
	v22 =	vcvt.s32.f32 v25;
	v20 =	vadd.s32 v9, v20;
	v19 =	vadd.s32 v27, v19  }
0x100: {  	v23 =	vtrunc.f32 v29;
	v27 =	vld [tilespmem:s14+$0xFFFFFFF0];
	v20 =	vnsel vm1, $0x0, v20;
	v19 =	vadd.s32 v11, v19  }
0x101: {  	v24 =	vcvt.f32.s32 v24;
	v23 =	vcvt.f32.s32 v23;
	[tilespmem:s10+$0x30] =	vst v20;
	v19 =	vnsel vm2, $0x0, v19  }
0x102: {  	vm4 =	vgt.s32 v18, $0x0;
	v20 =	vtrunc.f32 v26;
	v22 =	vmul.f32 $9.999999740e-05, v22;
	v26 =	vld [tilespmem:s23+$0x40];
	[tilespmem:s9+$0x50] =	vst v19  }
0x103: {  	vm2 =	vgt.s32 v25, $0x0;
	v19 =	vmul.u32 $0xFFFFD8F0, v23;
	v23 =	vmul.u32 $0xFFFFD8F0, v24;
	v24 =	vld [tilespmem:s25+$0x60];
	s25 =	smov.u32 s23;
	s23 =	smov.u32 s18;
	s18 =	smov.u32 s16  }
0x104: {  	vm3 =	vgt.s32 v21, $0x0;
	v20 =	vcvt.f32.s32 v20;
	v22 =	vtrunc.f32 v22;
	s16 =	smov.u32 s14;
	s14 =	smov.u32 s17;
	s17 =	smov.u32 s20  }
0x105: {  	s7 =	sadd.s32 $0xD0, s7;
	s20 =	smov.u32 s21;
	s21 =	smov.u32 s24;
	v19 =	vadd.s32 v19, v28;
	v21 =	vadd.s32 v23, v21;
	v22 =	vcvt.f32.s32 v22  }
0x106: {  	vm1 =	vgt.s32 v28, $0x0;
	s24 =	smov.u32 s4;
	v19 =	vadd.s32 v0, v19;
	v23 =	vcvt.s32.f32 v27  }
0x107: {  	v21 =	vadd.s32 v2, v21;
	v19 =	vnsel vm1, $0x0, v19;
	vm1 =	vgt.s32 v26, $0x0  }
0x108: {  	[tilespmem:s7+$0xFFFFFFA0] =	vst v19;
	v19 =	vnsel vm3, $0x0, v21;
	v21 =	vmul.u32 $0xFFFFD8F0, v22;
	v22 =	vcvt.s32.f32 v24  }
0x109: {  	v20 =	vmul.u32 $0xFFFFD8F0, v20;
	v28 =	vld [tilespmem:s4+$0xFFFFFFB0];
	[tilespmem:s26+$0xFFFFFFC0] =	vst v19;
	v19 =	vmul.f32 $9.999999740e-05, v23;
	v23 =	vcvt.s32.f32 v26  }
0x10a: {  	vm3 =	vgt.s32 v24, $0x0;
	v21 =	vadd.s32 v21, v25;
	v22 =	vmul.f32 $9.999999740e-05, v22  }
0x10b: {  	v18 =	vadd.s32 v20, v18;
	v19 =	vtrunc.f32 v19;
	v20 =	vmul.f32 $9.999999740e-05, v23  }
0x10c: {  	v18 =	vadd.s32 v6, v18;
	v29 =	vld [tilespmem:s21+$0xFFFFFFD0];
	v19 =	vcvt.f32.s32 v19;
	v22 =	vtrunc.f32 v22  }
0x10d: {  	v18 =	vnsel vm4, $0x0, v18;
	v21 =	vadd.s32 v8, v21;
	v22 =	vcvt.f32.s32 v22  }
0x10e: {  	v25 =	vcvt.s32.f32 v28;
	v19 =	vmul.u32 $0xFFFFD8F0, v19;
	[tilespmem:s12+$0x0] =	vst v18;
	v18 =	vtrunc.f32 v20  }
0x10f: {  	vm4 =	vgt.s32 v27, $0x0;
	v23 =	vld [tilespmem:s18+$0x10];
	v18 =	vcvt.f32.s32 v18;
	v22 =	vmul.u32 $0xFFFFD8F0, v22  }
0x110: {  	v21 =	vnsel vm2, $0x0, v21;
	v20 =	vmul.f32 $9.999999740e-05, v25;
	v19 =	vadd.s32 v19, v27  }
0x111: {  	v27 =	vadd.s32 v3, v16;
	v16 =	vmovc v14;
	v14 =	vmovc v17;
	v25 =	vcvt.s32.f32 v29;
	[tilespmem:s5+$0x3480] =	vst v21;
	v18 =	vmul.u32 $0xFFFFD8F0, v18  }
0x112: {  	v21 =	vnsel vm0, $0x0, v27;
	v24 =	vadd.s32 v22, v24;
	v17 =	vtrunc.f32 v20;
	v20 =	vld [tilespmem:s23+$0x30]  }
0x113: {  	v19 =	vadd.s32 v5, v19;
	v17 =	vcvt.f32.s32 v17;
	[tilespmem:s15+$0xFFFFFFD0] =	vst v21;
	v18 =	vadd.s32 v18, v26  }
0x114: {  	v19 =	vnsel vm4, $0x0, v19;
	v21 =	vmul.f32 $9.999999740e-05, v25;
	v22 =	vld [tilespmem:s14+$0xFFFFFFE0];
	v25 =	vcvt.s32.f32 v23  }
0x115: {  	v24 =	vadd.s32 v12, v24;
	v17 =	vmul.u32 $0xFFFFD8F0, v17;
	[tilespmem:s13+$0xFFFFFFF0] =	vst v19;
	v19 =	vadd.s32 v10, v18  }
0x116: {  	v21 =	vtrunc.f32 v21;
	v18 =	vld [tilespmem:s16+$0x0];
	v25 =	vmul.f32 $9.999999740e-05, v25;
	v19 =	vnsel vm1, $0x0, v19  }
.Ltmp0:
0x117: {  	v24 =	vnsel vm3, $0x0, v24;
	v21 =	vcvt.f32.s32 v21;
	v17 =	vadd.s32 v17, v28;
	[tilespmem:s10+$0x40] =	vst v19;
	(pc) =	sbr.rel @p0 .LBB2_2-.Ltmp0, $4  }
0x118: {  	vm0 =	vgt.s32 v28, $0x0;
	v17 =	vadd.s32 v1, v17;
	v25 =	vtrunc.f32 v25;
	v19 =	vld [tilespmem:s25+$0x50];
	[tilespmem:s9+$0x60] =	vst v24;
	s9 =	smov.u32 s10;
	s10 =	smov.u32 s11;
	s11 =	smov.u32 s12  }
0x119: {  	v26 =	vmul.u32 $0xFFFFD8F0, v21;
	s12 =	smov.u32 s13;
	s13 =	smov.u32 s15;
	s15 =	smov.u32 s19;
	v17 =	vnsel vm0, $0x0, v17;
	v27 =	vcvt.f32.s32 v25  }
0x11a: {  	v24 =	vcvt.s32.f32 v20;
	s19 =	smov.u32 s22;
	s22 =	smov.u32 s26;
	s26 =	smov.u32 s7;
	vm0 =	vgt.s32 v13, $0x0;
	v25 =	vcvt.s32.f32 v22;
	v13 =	vmovc v15;
	v15 =	vmovc v29;
	[tilespmem:s7+$0xFFFFFFB0] =	vst v17  }
0x11b: {  	s4 =	sadd.s32 $0xD0, s4;
	v17 =	vadd.s32 v26, v15;
	v21 =	vld [tilespmem:s24+$0xFFFFFFC0];
	v26 =	vcvt.s32.f32 v18;
	v27 =	vmul.u32 $0xFFFFD8F0, v27  }
0x11c: {  	v25 =	vmul.f32 $9.999999740e-05, v25  }
0x11d: {  	vm1 =	vgt.s32 v23, $0x0;
	v24 =	vmul.f32 $9.999999740e-05, v24;
	vm10 =	vgt.s32 v20, $0x0  }
0x11e: {  	vm2 =	vgt.s32 v22, $0x0;
	vm11 =	vgt.s32 v18, $0x0;
	v16 =	vadd.s32 v3, v16  }
0x11f: {  	vm7 =	vgt.s32 v13, $0x0;
	v14 =	vadd.s32 v3, v14;
	vm8 =	vgt.s32 v15, $0x0  }
0x120: {  	v26 =	vmul.f32 $9.999999740e-05, v26;
	v44 =	vadd.s32 v27, v23;
	v25 =	vtrunc.f32 v25  }
0x121: {  	v45 =	vcvt.s32.f32 v19;
	v16 =	vnsel vm0, $0x0, v16;
	v25 =	vcvt.f32.s32 v25  }
0x122: {  	v23 =	vadd.s32 v7, v44;
	v24 =	vtrunc.f32 v24;
	v26 =	vtrunc.f32 v26  }
0x123: {  	v23 =	vnsel vm1, $0x0, v23;
	v26 =	vcvt.f32.s32 v26;
	v25 =	vmul.u32 $0xFFFFD8F0, v25  }
0x124: {  	s2 =	sand.u32 $0x3FF0, s2;
	vm4 =	vgt.s32 v19, $0x0;
	v14 =	vnsel vm7, $0x0, v14;
	v46 =	vcvt.f32.s32 v24;
	[tilespmem:s11+$0x10] =	vst v23  }
0x125: {  	[tilespmem:s15+$0xFFFFFFD0] =	vst v16;
	v47 =	vcvt.s32.f32 v21;
	v28 =	vld [tilespmem:s2+$0x80];
	v26 =	vmul.u32 $0xFFFFD8F0, v26;
	v25 =	vadd.s32 v25, v22  }
0x126: {  	[tilespmem:s19+$0xFFFFFFD0] =	vst v14;
	v14 =	vadd.s32 v3, v17;
	v48 =	vmul.u32 $0xFFFFD8F0, v46;
	v49 =	vadd.s32 v4, v25  }
0x127: {  	v63 =	vld [tilespmem:s17+$0xFFFFFFE0];
	v24 =	vmul.f32 $9.999999740e-05, v47;
	v50 =	vadd.s32 v26, v18;
	v23 =	vnsel vm2, $0x0, v49  }
0x128: {  	v53 =	vmul.f32 $9.999999740e-05, v45;
	v51 =	vadd.s32 v48, v20;
	v52 =	vadd.s32 v6, v50;
	[tilespmem:s13+$0xFFFFFFE0] =	vst v23  }
0x129: {  	v20 =	vadd.s32 v9, v51;
	v24 =	vtrunc.f32 v24;
	v18 =	vnsel vm11, $0x0, v52;
	v23 =	vld [tilespmem:s14+$0xFFFFFFF0]  }
0x12a: {  	v20 =	vnsel vm10, $0x0, v20;
	v56 =	vcvt.f32.s32 v24;
	v54 =	vcvt.s32.f32 v28;
	[tilespmem:s12+$0x0] =	vst v18  }
0x12b: {  	v14 =	vnsel vm8, $0x0, v14;
	vm12 =	vgt.s32 v21, $0x0;
	v55 =	vtrunc.f32 v53;
	[tilespmem:s10+$0x30] =	vst v20;
	v57 =	vld [tilespmem:s16+$0x10]  }
0x12c: {  	v39 =	vcvt.s32.f32 v63;
	v59 =	vld [tilespmem:s23+$0x40];
	v22 =	vmul.u32 $0xFFFFD8F0, v56;
	v58 =	vmul.f32 $9.999999740e-05, v54  }
0x12d: {  	vm5 =	vgt.s32 v63, $0x0;
	vm13 =	vgt.s32 v28, $0x0;
	v18 =	vcvt.f32.s32 v55  }
0x12e: {  	v61 =	vadd.s32 v22, v21;
	v24 =	vtrunc.f32 v58;
	v60 =	vcvt.s32.f32 v23  }
0x12f: {  	v18 =	vmul.u32 $0xFFFFD8F0, v18;
	v16 =	vadd.s32 v2, v61;
	v62 =	vcvt.f32.s32 v24  }
0x130: {  	v16 =	vnsel vm12, $0x0, v16;
	v33 =	vcvt.s32.f32 v57;
	v32 =	vmul.f32 $9.999999740e-05, v60  }
0x131: {  	v18 =	vadd.s32 v18, v19;
	v34 =	vcvt.s32.f32 v59;
	[tilespmem:s26+$0xFFFFFFC0] =	vst v16;
	v21 =	vmul.u32 $0xFFFFD8F0, v62  }
0x132: {  	vm14 =	vgt.s32 v23, $0x0;
	v38 =	vld [tilespmem:s24+$0xFFFFFFD0];
	v36 =	vmul.f32 $9.999999740e-05, v33;
	v35 =	vtrunc.f32 v32  }
0x133: {  	v21 =	vadd.s32 v21, v28;
	v28 =	vmul.f32 $9.999999740e-05, v39;
	v16 =	vcvt.f32.s32 v35  }
0x134: {  	vm15 =	vgt.s32 v57, $0x0;
	v21 =	vadd.s32 v8, v21;
	v24 =	vtrunc.f32 v36  }
0x135: {  	v28 =	vtrunc.f32 v28;
	v24 =	vcvt.f32.s32 v24;
	v16 =	vmul.u32 $0xFFFFD8F0, v16  }
0x136: {  	v37 =	vmul.f32 $9.999999740e-05, v34;
	v21 =	vnsel vm13, $0x0, v21;
	v43 =	vcvt.f32.s32 v28  }
0x137: {  	v15 =	vld [tilespmem:s20+$0xFFFFFFE0];
	v41 =	vcvt.s32.f32 v38;
	[tilespmem:s2+$0x3480] =	vst v21;
	v40 =	vmul.u32 $0xFFFFD8F0, v24;
	v16 =	vadd.s32 v16, v23  }
0x138: {  	v26 =	vtrunc.f32 v37;
	v28 =	vld [tilespmem:s18+$0x30];
	v47 =	vmul.u32 $0xFFFFD8F0, v43;
	v16 =	vadd.s32 v5, v16  }
0x139: {  	v45 =	vmul.f32 $9.999999740e-05, v41;
	v42 =	vadd.s32 v40, v57;
	v16 =	vnsel vm14, $0x0, v16  }
0x13a: {  	v26 =	vcvt.f32.s32 v26;
	v20 =	vadd.s32 v47, v63;
	v44 =	vadd.s32 v7, v42;
	[tilespmem:s13+$0xFFFFFFF0] =	vst v16  }
0x13b: {  	v21 =	vtrunc.f32 v45;
	v20 =	vadd.s32 v4, v20;
	v46 =	vnsel vm15, $0x0, v44;
	v48 =	vld [tilespmem:s14+$0x0]  }
0x13c: {  	s0 =	sand.u32 $0x3FF0, s0;
	v62 =	vcvt.s32.f32 v15;
	v21 =	vcvt.f32.s32 v21;
	v20 =	vnsel vm5, $0x0, v20;
	[tilespmem:s12+$0x10] =	vst v46  }
0x13d: {  	v18 =	vadd.s32 v11, v18;
	v49 =	vmul.u32 $0xFFFFD8F0, v26;
	v51 =	vcvt.s32.f32 v28;
	[tilespmem:s15+$0xFFFFFFE0] =	vst v20;
	v50 =	vld [tilespmem:s0+$0x80]  }
0x13e: {  	vm6 =	vgt.s32 v59, $0x0;
	v63 =	vmul.f32 $9.999999740e-05, v62;
	v21 =	vmul.u32 $0xFFFFD8F0, v21;
	v53 =	vld [tilespmem:s17+$0xFFFFFFF0]  }
0x13f: {  	vm9 =	vgt.s32 v38, $0x0;
	v16 =	vadd.s32 v49, v59;
	v52 =	vmul.f32 $9.999999740e-05, v51  }
0x140: {  	[tilespmem:s22+$0xFFFFFFD0] =	vst v14;
	v19 =	vtrunc.f32 v63;
	v21 =	vadd.s32 v21, v38;
	v13 =	vcvt.s32.f32 v48  }
0x141: {  	v59 =	vld [tilespmem:s21+$0xFFFFFFE0];
	v31 =	vcvt.f32.s32 v19;
	v20 =	vtrunc.f32 v52;
	v55 =	vadd.s32 v3, v21  }
0x142: {  	v14 =	vnsel vm9, $0x0, v55;
	v54 =	vcvt.s32.f32 v50;
	v13 =	vmul.f32 $9.999999740e-05, v13  }
0x143: {  	v18 =	vnsel vm4, $0x0, v18;
	v20 =	vcvt.f32.s32 v20;
	[tilespmem:s26+$0xFFFFFFD0] =	vst v14;
	v57 =	vcvt.s32.f32 v53  }
0x144: {  	vm13 =	vgt.s32 v15, $0x0;
	v61 =	vld [tilespmem:s24+$0xFFFFFFE0];
	v24 =	vmul.f32 $9.999999740e-05, v54;
	v13 =	vtrunc.f32 v13  }
0x145: {  	v16 =	vadd.s32 v10, v16;
	v60 =	vmul.f32 $9.999999740e-05, v57;
	v13 =	vcvt.f32.s32 v13  }
0x146: {  	v29 =	vcvt.s32.f32 v59;
	v14 =	vnsel vm6, $0x0, v16;
	v56 =	vtrunc.f32 v24  }
0x147: {  	v16 =	vtrunc.f32 v60;
	v58 =	vcvt.f32.s32 v56;
	v13 =	vmul.u32 $0xFFFFD8F0, v13  }
0x148: {  	vm10 =	vgt.s32 v48, $0x0;
	vm11 =	vgt.s32 v50, $0x0;
	v16 =	vcvt.f32.s32 v16  }
0x149: {  	v30 =	vcvt.s32.f32 v61;
	v17 =	vmul.u32 $0xFFFFD8F0, v58;
	v13 =	vadd.s32 v13, v48  }
0x14a: {  	v23 =	vmul.f32 $9.999999740e-05, v29;
	v16 =	vmul.u32 $0xFFFFD8F0, v16;
	v13 =	vadd.s32 v6, v13  }
0x14b: {  	[tilespmem:s10+$0x40] =	vst v14;
	v32 =	vmul.f32 $9.999999740e-05, v30;
	v17 =	vadd.s32 v17, v50;
	v13 =	vnsel vm10, $0x0, v13  }
0x14c: {  	v14 =	vadd.s32 v8, v17;
	[tilespmem:s13+$0x0] =	vst v13;
	v13 =	vadd.s32 v16, v53;
	v16 =	vmul.u32 $0xFFFFD8F0, v31  }
0x14d: {  	v37 =	vld [tilespmem:s23+$0x50];
	v14 =	vnsel vm11, $0x0, v14;
	v34 =	vadd.s32 v5, v13;
	v13 =	vtrunc.f32 v23  }
0x14e: {  	vm12 =	vgt.s32 v53, $0x0;
	v19 =	vtrunc.f32 v32;
	v33 =	vld [tilespmem:s14+$0x10];
	[tilespmem:s0+$0x3480] =	vst v14;
	v35 =	vcvt.f32.s32 v13  }
0x14f: {  	[tilespmem:s9+$0x50] =	vst v18;
	v19 =	vcvt.f32.s32 v19;
	v36 =	vnsel vm12, $0x0, v34;
	v16 =	vadd.s32 v16, v15;
	v43 =	vld [tilespmem:s16+$0x30]  }
0x150: {  	vm14 =	vgt.s32 v59, $0x0;
	v13 =	vld [tilespmem:s25+$0x60];
	[tilespmem:s15+$0xFFFFFFF0] =	vst v36;
	v15 =	vadd.s32 v4, v16;
	v38 =	vmul.u32 $0xFFFFD8F0, v35  }
0x151: {  	v20 =	vmul.u32 $0xFFFFD8F0, v20;
	v40 =	vmul.u32 $0xFFFFD8F0, v19;
	v39 =	vld [tilespmem:s17+$0x0];
	v15 =	vnsel vm13, $0x0, v15  }
0x152: {  	vm15 =	vgt.s32 v61, $0x0;
	v42 =	vcvt.s32.f32 v37;
	[tilespmem:s19+$0xFFFFFFE0] =	vst v15;
	v17 =	vadd.s32 v38, v59  }
0x153: {  	v16 =	vadd.s32 v40, v61;
	v41 =	vcvt.s32.f32 v33;
	v14 =	vld [tilespmem:s20+$0xFFFFFFF0];
	v15 =	vadd.s32 v4, v17  }
0x154: {  	v16 =	vadd.s32 v4, v16;
	v50 =	vcvt.s32.f32 v43;
	v15 =	vnsel vm14, $0x0, v15  }
0x155: {  	v44 =	vcvt.s32.f32 v13;
	v19 =	vmul.f32 $9.999999740e-05, v41;
	[tilespmem:s22+$0xFFFFFFE0] =	vst v15;
	v15 =	vnsel vm15, $0x0, v16  }
0x156: {  	vm4 =	vgt.s32 v28, $0x0;
	v45 =	vcvt.s32.f32 v39;
	v31 =	vmul.f32 $9.999999740e-05, v50;
	v46 =	vld [tilespmem:s21+$0xFFFFFFF0];
	[tilespmem:s26+$0xFFFFFFE0] =	vst v15  }
0x157: {  	v20 =	vadd.s32 v20, v28;
	v15 =	vmul.f32 $9.999999740e-05, v42;
	v47 =	vtrunc.f32 v19;
	v48 =	vld [tilespmem:s24+$0xFFFFFFF0]  }
0x158: {  	v20 =	vadd.s32 v9, v20;
	v24 =	vmul.f32 $9.999999740e-05, v45;
	v49 =	vcvt.s32.f32 v14  }
0x159: {  	v20 =	vnsel vm4, $0x0, v20;
	v17 =	vcvt.f32.s32 v47;
	v15 =	vtrunc.f32 v15  }
0x15a: {  	vm5 =	vgt.s32 v33, $0x0;
	v24 =	vtrunc.f32 v24;
	v26 =	vmul.f32 $9.999999740e-05, v49  }
0x15b: {  	vm6 =	vgt.s32 v39, $0x0;
	v52 =	vcvt.f32.s32 v24;
	v51 =	vcvt.s32.f32 v46  }
0x15c: {  	vm7 =	vgt.s32 v14, $0x0;
	v26 =	vtrunc.f32 v26;
	v53 =	vcvt.s32.f32 v48  }
0x15d: {  	v17 =	vmul.u32 $0xFFFFD8F0, v17;
	v26 =	vcvt.f32.s32 v26;
	v28 =	vmul.f32 $9.999999740e-05, v51  }
0x15e: {  	[tilespmem:s11+$0x30] =	vst v20;
	v15 =	vcvt.f32.s32 v15;
	v22 =	vmul.u32 $0xFFFFD8F0, v52;
	v24 =	vmul.f32 $9.999999740e-05, v53  }
0x15f: {  	v57 =	vld [tilespmem:s18+$0x40];
	v17 =	vadd.s32 v17, v33;
	v26 =	vmul.u32 $0xFFFFD8F0, v26;
	v28 =	vtrunc.f32 v28  }
0x160: {  	v18 =	vadd.s32 v22, v39;
	v28 =	vcvt.f32.s32 v28;
	v24 =	vtrunc.f32 v24  }
0x161: {  	v18 =	vadd.s32 v6, v18;
	v55 =	vadd.s32 v26, v14;
	v54 =	vcvt.f32.s32 v24  }
0x162: {  	v59 =	vnsel vm6, $0x0, v18;
	v14 =	vadd.s32 v5, v55;
	v56 =	vmul.u32 $0xFFFFD8F0, v28  }
0x163: {  	vm8 =	vgt.s32 v46, $0x0;
	[tilespmem:s15+$0x0] =	vst v59;
	v14 =	vnsel vm7, $0x0, v14;
	v58 =	vmul.u32 $0xFFFFD8F0, v54  }
0x164: {  	v33 =	vcvt.s32.f32 v57;
	v17 =	vadd.s32 v7, v17;
	v32 =	vld [tilespmem:s17+$0x10];
	[tilespmem:s19+$0xFFFFFFF0] =	vst v14;
	v60 =	vadd.s32 v56, v46  }
0x165: {  	v17 =	vnsel vm5, $0x0, v17;
	v63 =	vld [tilespmem:s20+$0x0];
	v14 =	vadd.s32 v5, v60;
	v62 =	vadd.s32 v58, v48  }
0x166: {  	s7 =	sand.u32 $0x3FF0, s1;
	vm9 =	vgt.s32 v48, $0x0;
	[tilespmem:s13+$0x10] =	vst v17;
	v14 =	vnsel vm8, $0x0, v14;
	v18 =	vadd.s32 v5, v62  }
0x167: {  	vm10 =	vgt.s32 v37, $0x0;
	v16 =	vmul.f32 $9.999999740e-05, v44;
	v61 =	vld [tilespmem:s7+$0x80];
	[tilespmem:s22+$0xFFFFFFF0] =	vst v14;
	v14 =	vnsel vm9, $0x0, v18  }
0x168: {  	v18 =	vmul.f32 $9.999999740e-05, v33;
	[tilespmem:s26+$0xFFFFFFF0] =	vst v14;
	v14 =	vmul.u32 $0xFFFFD8F0, v15;
	v15 =	vtrunc.f32 v31  }
0x169: {  	vm11 =	vgt.s32 v43, $0x0;
	v39 =	vcvt.s32.f32 v32;
	v34 =	vld [tilespmem:s21+$0x0];
	v15 =	vcvt.f32.s32 v15  }
0x16a: {  	vm15 =	vgt.s32 v32, $0x0;
	v35 =	vld [tilespmem:s24+$0x0];
	v36 =	vcvt.s32.f32 v63;
	v18 =	vtrunc.f32 v18  }
0x16b: {  	v21 =	vmul.f32 $9.999999740e-05, v39;
	vm12 =	vgt.s32 v63, $0x0;
	v14 =	vadd.s32 v14, v37  }
0x16c: {  	v37 =	vcvt.s32.f32 v61;
	v18 =	vcvt.f32.s32 v18;
	v15 =	vmul.u32 $0xFFFFD8F0, v15  }
0x16d: {  	v23 =	vmul.f32 $9.999999740e-05, v36;
	v14 =	vadd.s32 v11, v14;
	v21 =	vtrunc.f32 v21  }
0x16e: {  	v14 =	vnsel vm10, $0x0, v14;
	v21 =	vcvt.f32.s32 v21;
	v38 =	vcvt.s32.f32 v34  }
0x16f: {  	v47 =	vmul.f32 $9.999999740e-05, v37;
	v49 =	vmul.u32 $0xFFFFD8F0, v18;
	v40 =	vcvt.s32.f32 v35  }
0x170: {  	v15 =	vadd.s32 v15, v43;
	v23 =	vtrunc.f32 v23;
	v27 =	vmul.f32 $9.999999740e-05, v38  }
0x171: {  	vm13 =	vgt.s32 v34, $0x0;
	v23 =	vcvt.f32.s32 v23;
	v28 =	vmul.f32 $9.999999740e-05, v40  }
0x172: {  	v15 =	vadd.s32 v9, v15;
	v21 =	vmul.u32 $0xFFFFD8F0, v21;
	v27 =	vtrunc.f32 v27  }
0x173: {  	v23 =	vmul.u32 $0xFFFFD8F0, v23;
	v27 =	vcvt.f32.s32 v27;
	v28 =	vtrunc.f32 v28  }
0x174: {  	vm14 =	vgt.s32 v35, $0x0;
	v19 =	vtrunc.f32 v47;
	v28 =	vcvt.f32.s32 v28  }
0x175: {  	v15 =	vnsel vm11, $0x0, v15;
	v23 =	vadd.s32 v23, v63;
	v27 =	vmul.u32 $0xFFFFD8F0, v27  }
0x176: {  	[tilespmem:s10+$0x50] =	vst v14;
	v21 =	vadd.s32 v21, v32;
	v41 =	vadd.s32 v6, v23;
	v42 =	vmul.u32 $0xFFFFD8F0, v28  }
0x177: {  	v14 =	vld [tilespmem:s23+$0x60];
	[tilespmem:s12+$0x30] =	vst v15;
	v50 =	vadd.s32 v7, v21;
	v17 =	vnsel vm12, $0x0, v41;
	v27 =	vadd.s32 v27, v34  }
0x178: {  	v45 =	vld [tilespmem:s16+$0x40];
	v18 =	vnsel vm15, $0x0, v50;
	[tilespmem:s19+$0x0] =	vst v17;
	v43 =	vadd.s32 v6, v27;
	v23 =	vadd.s32 v42, v35  }
0x179: {  	s23 =	sand.u32 $0x3FF0, s31;
	v19 =	vcvt.f32.s32 v19;
	[tilespmem:s15+$0x10] =	vst v18;
	v15 =	vld [tilespmem:s20+$0x10];
	v17 =	vnsel vm13, $0x0, v43;
	v44 =	vadd.s32 v6, v23  }
0x17a: {  	v55 =	vld [tilespmem:s23+$0x80];
	[tilespmem:s22+$0x0] =	vst v17;
	v46 =	vnsel vm14, $0x0, v44  }
0x17b: {  	v19 =	vmul.u32 $0xFFFFD8F0, v19;
	v48 =	vld [tilespmem:s21+$0x10];
	[tilespmem:s26+$0x0] =	vst v46  }
0x17c: {  	v16 =	vtrunc.f32 v16;
	v51 =	vld [tilespmem:s24+$0x10]  }
0x17d: {  	vm4 =	vgt.s32 v57, $0x0;
	v16 =	vcvt.f32.s32 v16;
	v19 =	vadd.s32 v19, v61  }
0x17e: {  	vm5 =	vgt.s32 v61, $0x0;
	v19 =	vadd.s32 v8, v19;
	v52 =	vcvt.s32.f32 v15  }
0x17f: {  	v16 =	vmul.u32 $0xFFFFD8F0, v16;
	v19 =	vnsel vm5, $0x0, v19;
	v54 =	vcvt.s32.f32 v45  }
0x180: {  	vm15 =	vgt.s32 v13, $0x0;
	[tilespmem:s7+$0x3480] =	vst v19;
	v18 =	vmul.f32 $9.999999740e-05, v52;
	v56 =	vcvt.s32.f32 v48  }
0x181: {  	v63 =	vld [tilespmem:s14+$0x30];
	v17 =	vadd.s32 v49, v57;
	v60 =	vcvt.s32.f32 v55;
	v57 =	vcvt.s32.f32 v51  }
0x182: {  	v13 =	vadd.s32 v16, v13;
	v18 =	vtrunc.f32 v18;
	v58 =	vmul.f32 $9.999999740e-05, v56  }
0x183: {  	v17 =	vadd.s32 v10, v17;
	v18 =	vcvt.f32.s32 v18;
	v59 =	vmul.f32 $9.999999740e-05, v57  }
0x184: {  	v17 =	vnsel vm4, $0x0, v17;
	v28 =	vmul.f32 $9.999999740e-05, v60;
	v22 =	vtrunc.f32 v58  }
0x185: {  	v18 =	vmul.u32 $0xFFFFD8F0, v18;
	v22 =	vcvt.f32.s32 v22;
	v27 =	vtrunc.f32 v59  }
0x186: {  	vm6 =	vgt.s32 v15, $0x0;
	v34 =	vcvt.s32.f32 v63;
	v62 =	vcvt.f32.s32 v27  }
0x187: {  	v31 =	vtrunc.f32 v28;
	v18 =	vadd.s32 v18, v15;
	v22 =	vmul.u32 $0xFFFFD8F0, v22  }
0x188: {  	[tilespmem:s11+$0x40] =	vst v17;
	v17 =	vcvt.f32.s32 v31;
	v15 =	vadd.s32 v7, v18;
	v30 =	vmul.u32 $0xFFFFD8F0, v62  }
0x189: {  	v20 =	vmul.f32 $9.999999740e-05, v34;
	v15 =	vnsel vm6, $0x0, v15;
	v22 =	vadd.s32 v22, v48  }
0x18a: {  	vm7 =	vgt.s32 v48, $0x0;
	[tilespmem:s19+$0x10] =	vst v15;
	v15 =	vadd.s32 v7, v22;
	v18 =	vadd.s32 v30, v51  }
0x18b: {  	s25 =	sand.u32 $0x3FF0, s30;
	v32 =	vld [tilespmem:s18+$0x50];
	vm8 =	vgt.s32 v51, $0x0;
	v15 =	vnsel vm7, $0x0, v15;
	v18 =	vadd.s32 v7, v18  }
0x18c: {  	s28 =	sand.u32 $0x3FF0, s28;
	v53 =	vcvt.s32.f32 v14;
	v25 =	vmul.f32 $9.999999740e-05, v54;
	v33 =	vld [tilespmem:s25+$0x80];
	[tilespmem:s22+$0x10] =	vst v15;
	v15 =	vnsel vm8, $0x0, v18  }
0x18d: {  	s3 =	sand.u32 $0x3FF0, s29;
	vm9 =	vgt.s32 v45, $0x0;
	v17 =	vmul.u32 $0xFFFFD8F0, v17;
	v20 =	vtrunc.f32 v20;
	v36 =	vld [tilespmem:s28+$0x80];
	[tilespmem:s26+$0x10] =	vst v15  }
0x18e: {  	vm10 =	vgt.s32 v55, $0x0;
	v61 =	vtrunc.f32 v25;
	v20 =	vcvt.f32.s32 v20;
	v37 =	vld [tilespmem:s3+$0x80]  }
0x18f: {  	v35 =	vcvt.f32.s32 v61;
	vm11 =	vgt.s32 v63, $0x0;
	v17 =	vadd.s32 v17, v55  }
0x190: {  	v38 =	vcvt.s32.f32 v32;
	v17 =	vadd.s32 v8, v17;
	v43 =	vmul.u32 $0xFFFFD8F0, v20  }
0x191: {  	v18 =	vmul.u32 $0xFFFFD8F0, v35;
	v15 =	vmul.f32 $9.999999740e-05, v53;
	v39 =	vcvt.s32.f32 v33  }
0x192: {  	v17 =	vnsel vm10, $0x0, v17;
	v53 =	vmul.f32 $9.999999740e-05, v38;
	v41 =	vcvt.s32.f32 v36  }
0x193: {  	v42 =	vadd.s32 v18, v45;
	v40 =	vmul.f32 $9.999999740e-05, v39;
	v44 =	vcvt.s32.f32 v37  }
0x194: {  	[tilespmem:s23+$0x3480] =	vst v17;
	v18 =	vadd.s32 v43, v63;
	v57 =	vtrunc.f32 v53;
	v28 =	vmul.f32 $9.999999740e-05, v41  }
0x195: {  	v45 =	vld [tilespmem:s17+$0x30];
	vm12 =	vgt.s32 v33, $0x0;
	v26 =	vtrunc.f32 v40;
	v20 =	vmul.f32 $9.999999740e-05, v44  }
0x196: {  	v17 =	vadd.s32 v10, v42;
	v26 =	vcvt.f32.s32 v26;
	v46 =	vtrunc.f32 v28  }
0x197: {  	v18 =	vadd.s32 v9, v18;
	v27 =	vcvt.f32.s32 v46;
	v20 =	vtrunc.f32 v20  }
0x198: {  	v18 =	vnsel vm11, $0x0, v18;
	v26 =	vmul.u32 $0xFFFFD8F0, v26;
	v20 =	vcvt.f32.s32 v20  }
0x199: {  	v16 =	vcvt.f32.s32 v57;
	[tilespmem:s13+$0x30] =	vst v18;
	vm13 =	vgt.s32 v36, $0x0;
	v27 =	vmul.u32 $0xFFFFD8F0, v27  }
0x19a: {  	v54 =	vld [tilespmem:s14+$0x40];
	v47 =	vcvt.s32.f32 v45;
	v26 =	vadd.s32 v26, v33;
	v20 =	vmul.u32 $0xFFFFD8F0, v20  }
0x19b: {  	vm14 =	vgt.s32 v37, $0x0;
	v48 =	vadd.s32 v8, v26;
	v50 =	vadd.s32 v27, v36  }
0x19c: {  	v22 =	vnsel vm12, $0x0, v48;
	v51 =	vadd.s32 v8, v50;
	v20 =	vadd.s32 v20, v37  }
0x19d: {  	v49 =	vmul.f32 $9.999999740e-05, v47;
	[tilespmem:s25+$0x3480] =	vst v22;
	v19 =	vnsel vm13, $0x0, v51;
	v20 =	vadd.s32 v8, v20  }
0x19e: {  	v55 =	vtrunc.f32 v15;
	v17 =	vnsel vm9, $0x0, v17;
	v52 =	vld [tilespmem:s20+$0x30];
	[tilespmem:s28+$0x3480] =	vst v19;
	v20 =	vnsel vm14, $0x0, v20  }
0x19f: {  	v16 =	vmul.u32 $0xFFFFD8F0, v16;
	v15 =	vtrunc.f32 v49;
	v61 =	vcvt.s32.f32 v54;
	[tilespmem:s3+$0x3480] =	vst v20;
	v56 =	vld [tilespmem:s21+$0x30]  }
0x1a0: {  	[tilespmem:s12+$0x40] =	vst v17;
	v15 =	vcvt.f32.s32 v15;
	v58 =	vld [tilespmem:s24+$0x30]  }
0x1a1: {  	vm4 =	vgt.s32 v32, $0x0;
	v16 =	vadd.s32 v16, v32;
	v32 =	vmul.f32 $9.999999740e-05, v61;
	v22 =	vld [tilespmem:s16+$0x50]  }
0x1a2: {  	vm5 =	vgt.s32 v45, $0x0;
	v16 =	vadd.s32 v11, v16;
	v15 =	vmul.u32 $0xFFFFD8F0, v15  }
0x1a3: {  	v16 =	vnsel vm4, $0x0, v16;
	v25 =	vtrunc.f32 v32;
	v60 =	vcvt.s32.f32 v52  }
0x1a4: {  	v15 =	vadd.s32 v15, v45;
	v25 =	vcvt.f32.s32 v25;
	v62 =	vcvt.s32.f32 v56  }
0x1a5: {  	v15 =	vadd.s32 v9, v15;
	v26 =	vmul.f32 $9.999999740e-05, v60;
	v63 =	vcvt.s32.f32 v58  }
0x1a6: {  	v15 =	vnsel vm5, $0x0, v15;
	v59 =	vcvt.s32.f32 v22;
	v28 =	vmul.f32 $9.999999740e-05, v62  }
0x1a7: {  	v44 =	vmul.u32 $0xFFFFD8F0, v25;
	[tilespmem:s15+$0x30] =	vst v15;
	v26 =	vtrunc.f32 v26;
	v23 =	vmul.f32 $9.999999740e-05, v63  }
0x1a8: {  	vm9 =	vgt.s32 v54, $0x0;
	v33 =	vld [tilespmem:s17+$0x40];
	v15 =	vcvt.f32.s32 v26;
	v34 =	vtrunc.f32 v28  }
0x1a9: {  	v20 =	vadd.s32 v44, v54;
	v27 =	vcvt.f32.s32 v34;
	v23 =	vtrunc.f32 v23  }
0x1aa: {  	v20 =	vadd.s32 v10, v20;
	v15 =	vmul.u32 $0xFFFFD8F0, v15;
	v23 =	vcvt.f32.s32 v23  }
0x1ab: {  	vm6 =	vgt.s32 v52, $0x0;
	v20 =	vnsel vm9, $0x0, v20;
	v27 =	vmul.u32 $0xFFFFD8F0, v27  }
0x1ac: {  	[tilespmem:s13+$0x40] =	vst v20;
	vm7 =	vgt.s32 v56, $0x0;
	v15 =	vadd.s32 v15, v52;
	v36 =	vmul.u32 $0xFFFFD8F0, v23  }
0x1ad: {  	v53 =	vld [tilespmem:s14+$0x50];
	v37 =	vcvt.s32.f32 v33;
	v35 =	vadd.s32 v9, v15;
	v27 =	vadd.s32 v27, v56  }
0x1ae: {  	[tilespmem:s11+$0x50] =	vst v16;
	v16 =	vnsel vm6, $0x0, v35;
	v38 =	vadd.s32 v9, v27;
	v39 =	vadd.s32 v36, v58  }
0x1af: {  	vm8 =	vgt.s32 v58, $0x0;
	v15 =	vld [tilespmem:s18+$0x60];
	[tilespmem:s19+$0x30] =	vst v16;
	v16 =	vnsel vm7, $0x0, v38;
	v17 =	vadd.s32 v9, v39  }
0x1b0: {  	v23 =	vmul.f32 $9.999999740e-05, v37;
	v40 =	vld [tilespmem:s20+$0x40];
	[tilespmem:s22+$0x30] =	vst v16;
	v42 =	vnsel vm8, $0x0, v17  }
0x1b1: {  	v41 =	vcvt.f32.s32 v55;
	v24 =	vmul.f32 $9.999999740e-05, v59;
	v45 =	vld [tilespmem:s21+$0x40];
	[tilespmem:s26+$0x30] =	vst v42  }
0x1b2: {  	v13 =	vadd.s32 v12, v13;
	v55 =	vcvt.s32.f32 v53;
	v49 =	vtrunc.f32 v23;
	v48 =	vld [tilespmem:s24+$0x40]  }
0x1b3: {  	vm10 =	vgt.s32 v22, $0x0;
	v43 =	vtrunc.f32 v24;
	v21 =	vcvt.f32.s32 v49  }
0x1b4: {  	vm11 =	vgt.s32 v33, $0x0;
	v58 =	vmul.f32 $9.999999740e-05, v55;
	v17 =	vcvt.f32.s32 v43  }
0x1b5: {  	v47 =	vcvt.s32.f32 v15;
	v21 =	vmul.u32 $0xFFFFD8F0, v21;
	v50 =	vcvt.s32.f32 v40  }
0x1b6: {  	v17 =	vmul.u32 $0xFFFFD8F0, v17;
	vm12 =	vgt.s32 v40, $0x0;
	v51 =	vcvt.s32.f32 v45  }
0x1b7: {  	v21 =	vadd.s32 v21, v33;
	v23 =	vmul.f32 $9.999999740e-05, v50;
	v52 =	vcvt.s32.f32 v48  }
0x1b8: {  	v17 =	vadd.s32 v17, v22;
	v21 =	vadd.s32 v10, v21;
	v54 =	vmul.f32 $9.999999740e-05, v51  }
0x1b9: {  	v17 =	vadd.s32 v11, v17;
	v23 =	vtrunc.f32 v23;
	v20 =	vmul.f32 $9.999999740e-05, v52  }
0x1ba: {  	v21 =	vnsel vm11, $0x0, v21;
	v23 =	vcvt.f32.s32 v23;
	v26 =	vtrunc.f32 v54  }
0x1bb: {  	v17 =	vnsel vm10, $0x0, v17;
	v26 =	vcvt.f32.s32 v26;
	v20 =	vtrunc.f32 v20  }
0x1bc: {  	[tilespmem:s12+$0x50] =	vst v17;
	v17 =	vtrunc.f32 v58;
	v23 =	vmul.u32 $0xFFFFD8F0, v23;
	v20 =	vcvt.f32.s32 v20  }
0x1bd: {  	[tilespmem:s15+$0x40] =	vst v21;
	vm13 =	vgt.s32 v45, $0x0;
	v29 =	vcvt.f32.s32 v17;
	v26 =	vmul.u32 $0xFFFFD8F0, v26  }
0x1be: {  	v56 =	vld [tilespmem:s17+$0x50];
	vm14 =	vgt.s32 v48, $0x0;
	v23 =	vadd.s32 v23, v40;
	v20 =	vmul.u32 $0xFFFFD8F0, v20  }
0x1bf: {  	v60 =	vld [tilespmem:s16+$0x60];
	v16 =	vmul.u32 $0xFFFFD8F0, v29;
	v57 =	vadd.s32 v10, v23;
	v59 =	vadd.s32 v26, v45  }
0x1c0: {  	v18 =	vnsel vm12, $0x0, v57;
	v61 =	vadd.s32 v10, v59;
	v20 =	vadd.s32 v20, v48  }
0x1c1: {  	v16 =	vadd.s32 v16, v53;
	[tilespmem:s19+$0x40] =	vst v18;
	v18 =	vnsel vm13, $0x0, v61;
	v20 =	vadd.s32 v10, v20  }
0x1c2: {  	vm4 =	vgt.s32 v53, $0x0;
	v16 =	vadd.s32 v11, v16;
	v62 =	vld [tilespmem:s20+$0x50];
	[tilespmem:s22+$0x40] =	vst v18;
	v26 =	vnsel vm14, $0x0, v20  }
0x1c3: {  	v19 =	vmul.f32 $9.999999740e-05, v47;
	v63 =	vcvt.s32.f32 v56;
	v16 =	vnsel vm4, $0x0, v16;
	v28 =	vld [tilespmem:s21+$0x50];
	[tilespmem:s26+$0x40] =	vst v26  }
0x1c4: {  	v13 =	vnsel vm15, $0x0, v13;
	v31 =	vcvt.s32.f32 v60;
	[tilespmem:s13+$0x50] =	vst v16;
	v18 =	vld [tilespmem:s24+$0x50]  }
0x1c5: {  	v46 =	vmul.u32 $0xFFFFD8F0, v41;
	v19 =	vtrunc.f32 v19;
	v30 =	vmul.f32 $9.999999740e-05, v63;
	v39 =	vld [tilespmem:s14+$0x60]  }
0x1c6: {  	vm15 =	vgt.s32 v14, $0x0;
	v19 =	vcvt.f32.s32 v19;
	v24 =	vmul.f32 $9.999999740e-05, v31  }
0x1c7: {  	v14 =	vadd.s32 v46, v14;
	v17 =	vtrunc.f32 v30;
	v32 =	vcvt.s32.f32 v62  }
0x1c8: {  	v14 =	vadd.s32 v12, v14;
	v17 =	vcvt.f32.s32 v17;
	v34 =	vcvt.s32.f32 v28  }
0x1c9: {  	v14 =	vnsel vm15, $0x0, v14;
	v33 =	vmul.f32 $9.999999740e-05, v32;
	v35 =	vcvt.s32.f32 v18  }
0x1ca: {  	v19 =	vmul.u32 $0xFFFFD8F0, v19;
	v44 =	vcvt.s32.f32 v39;
	v25 =	vmul.f32 $9.999999740e-05, v34  }
0x1cb: {  	v17 =	vmul.u32 $0xFFFFD8F0, v17;
	v22 =	vtrunc.f32 v33;
	v38 =	vmul.f32 $9.999999740e-05, v35  }
0x1cc: {  	vm5 =	vgt.s32 v56, $0x0;
	v37 =	vcvt.f32.s32 v22;
	v25 =	vtrunc.f32 v25  }
0x1cd: {  	v36 =	vadd.s32 v17, v56;
	v25 =	vcvt.f32.s32 v25;
	v22 =	vtrunc.f32 v38  }
0x1ce: {  	v16 =	vadd.s32 v11, v36;
	v17 =	vmul.u32 $0xFFFFD8F0, v37;
	v22 =	vcvt.f32.s32 v22  }
0x1cf: {  	vm6 =	vgt.s32 v62, $0x0;
	v16 =	vnsel vm5, $0x0, v16;
	v41 =	vmul.u32 $0xFFFFD8F0, v25  }
0x1d0: {  	v52 =	vmul.f32 $9.999999740e-05, v44;
	[tilespmem:s15+$0x50] =	vst v16;
	v40 =	vadd.s32 v17, v62;
	v43 =	vmul.u32 $0xFFFFD8F0, v22  }
0x1d1: {  	vm7 =	vgt.s32 v28, $0x0;
	v42 =	vld [tilespmem:s17+$0x60];
	v16 =	vadd.s32 v11, v40;
	v17 =	vadd.s32 v41, v28  }
0x1d2: {  	v16 =	vnsel vm6, $0x0, v16;
	v45 =	vadd.s32 v11, v17;
	v46 =	vadd.s32 v43, v18  }
0x1d3: {  	vm8 =	vgt.s32 v18, $0x0;
	[tilespmem:s19+$0x50] =	vst v16;
	v16 =	vnsel vm7, $0x0, v45;
	v17 =	vadd.s32 v11, v46  }
0x1d4: {  	v24 =	vtrunc.f32 v24;
	v55 =	vtrunc.f32 v52;
	v47 =	vld [tilespmem:s20+$0x60];
	[tilespmem:s22+$0x50] =	vst v16;
	v49 =	vnsel vm8, $0x0, v17  }
0x1d5: {  	v48 =	vadd.s32 v19, v15;
	v24 =	vcvt.f32.s32 v24;
	v19 =	vcvt.f32.s32 v55;
	v50 =	vld [tilespmem:s21+$0x60];
	[tilespmem:s26+$0x50] =	vst v49  }
0x1d6: {  	vm9 =	vgt.s32 v15, $0x0;
	vm10 =	vgt.s32 v60, $0x0;
	v53 =	vcvt.s32.f32 v42;
	v16 =	vld [tilespmem:s24+$0x60]  }
0x1d7: {  	v15 =	vadd.s32 v12, v48;
	v51 =	vmul.u32 $0xFFFFD8F0, v24;
	v19 =	vmul.u32 $0xFFFFD8F0, v19  }
0x1d8: {  	v15 =	vnsel vm9, $0x0, v15;
	vm11 =	vgt.s32 v39, $0x0;
	v56 =	vmul.f32 $9.999999740e-05, v53  }
0x1d9: {  	v54 =	vadd.s32 v51, v60;
	v19 =	vadd.s32 v19, v39;
	v57 =	vcvt.s32.f32 v47  }
0x1da: {  	vm12 =	vgt.s32 v42, $0x0;
	v21 =	vtrunc.f32 v56;
	v58 =	vcvt.s32.f32 v50  }
0x1db: {  	v19 =	vadd.s32 v12, v19;
	v22 =	vmul.f32 $9.999999740e-05, v57;
	v59 =	vcvt.s32.f32 v16  }
0x1dc: {  	v19 =	vnsel vm11, $0x0, v19;
	v21 =	vcvt.f32.s32 v21;
	v23 =	vmul.f32 $9.999999740e-05, v58  }
0x1dd: {  	v18 =	vadd.s32 v12, v54;
	v22 =	vtrunc.f32 v22;
	v24 =	vmul.f32 $9.999999740e-05, v59  }
0x1de: {  	v21 =	vmul.u32 $0xFFFFD8F0, v21;
	v22 =	vcvt.f32.s32 v22;
	v23 =	vtrunc.f32 v23  }
0x1df: {  	[tilespmem:s9+$0x60] =	vst v13;
	v18 =	vnsel vm10, $0x0, v18;
	v60 =	vcvt.f32.s32 v23;
	v61 =	vtrunc.f32 v24  }
0x1e0: {  	[tilespmem:s10+$0x60] =	vst v14;
	v14 =	vadd.s32 v21, v42;
	v13 =	vmul.u32 $0xFFFFD8F0, v22;
	v62 =	vcvt.f32.s32 v61  }
0x1e1: {  	[tilespmem:s11+$0x60] =	vst v15;
	vm13 =	vgt.s32 v47, $0x0;
	v14 =	vadd.s32 v12, v14;
	v15 =	vmul.u32 $0xFFFFD8F0, v60  }
0x1e2: {  	[tilespmem:s13+$0x60] =	vst v19;
	v14 =	vnsel vm12, $0x0, v14;
	v13 =	vadd.s32 v13, v47;
	v63 =	vmul.u32 $0xFFFFD8F0, v62  }
0x1e3: {  	[tilespmem:s12+$0x60] =	vst v18;
	vm14 =	vgt.s32 v50, $0x0;
	v13 =	vadd.s32 v12, v13;
	v15 =	vadd.s32 v15, v50  }
0x1e4: {  	[tilespmem:s15+$0x60] =	vst v14;
	v13 =	vnsel vm13, $0x0, v13;
	v14 =	vadd.s32 v12, v15;
	v15 =	vadd.s32 v63, v16  }
0x1e5: {  	vm15 =	vgt.s32 v16, $0x0;
	[tilespmem:s19+$0x60] =	vst v13;
	v13 =	vnsel vm14, $0x0, v14;
	v14 =	vadd.s32 v12, v15  }
0x1e6: {  	[tilespmem:s22+$0x60] =	vst v13;
	v13 =	vnsel vm15, $0x0, v14  }
0x1e7: {  	[tilespmem:s26+$0x60] =	vst v13  }
0x1e8: {  	s5 =	simm.s32 $0x0;
	s30 =	simm.s32 $0x3400;
	s0 =	rddreg [dreg:$0x4]  }
0x1e9: {  	[hbm4b:s0+s5] =	stream.linear.scatter [tilespmem:s30], [sflag:$0x1], $0x3400, $0x38;
	[tilespmem:$0x6800] =	vst v63  }
0x1ea: {  	_ =	swait.ge [sflag:s6], $0x3400  }
0x1eb: {  	s8 =	sadd.s32 $0x1, s8;
	s31 =	rddreg [dreg:$0x5]  }
0x1ec: {  	p0 =	sne.s32 s8, s31  }
.Ltmp1:
0x1ed: {  	_ = 	snop;
	(pc) =	sbr.rel @p0 .LBB2_1-.Ltmp1, $3  }
0x1ee: {  	_ =	sdelay $0x1  }
0x1ef: {  	[sflag:s6] =	ssyncset.done $0x0  }
0x1f0: {  	[sflag:s6] =	ssyncadd.s32 $0xFFFFCC00  }
0x1f1: {  	_ =	sfence.sel $0x180000  }
0x1f2: {  	[bflag:$0x0] =	sbarrier.arrive $0xFFFF  }
0x1f3: {  	_ =	strace $0x90000047  }
0x1f4: {  	s0 =	stileid.u32;
	[bflag:$0x2] =	sbarrier.arrive $0xFFFF  }
0x1f5: {  	p0 =	sne.s32 s0, $0x0;
	s0 =	rddreg [dreg:$0x2]  }
0x1f6: {  	s0 =	sadd.s32 @!p0 $0x100000, s0  }
0x1f7: {  	[sflag:s0] =	ssyncadd.tile.s32 @!p0 $0x1;
	_ =	shalt  }
.Lfunc_end2:
_tile_overlayer_lowered:
.L_overlay_start_2:
0x1f8: {  	(tag) =	ssettag $0x2  }
0x1f9: {  	s0 =	rddreg [dreg:$0x0];
	s2 =	stileid.u32  }
0x1fa: {  	s1 =	rddreg [dreg:$0x1];
	p0 =	sne.s32 s2, $0x0  }
0x1fb: {  	s3 =	rddreg [dreg:$0x2];
	[bflag:$0x3] =	sbarrier.arrive $0xFFFF;
	s2 =	simm.s32 @!p0 $0x1C01  }
0x1fc: {  	[timem:s3], [sflag:s2] =	dma.local @!p0 [hbm:s0], s1  }
0x1fd: {  	s0 =	simm.s32 @!p0 $0x1  }
0x1fe: {  	_ =	swait.ge @!p0 [sflag:s0], s1  }
0x1ff: {  	s1 =	ssub.s32 @!p0 $0x0, s1;
	[sflag:s0] =	ssyncset.done @!p0 $0x0  }
0x200: {  	[sflag:s0] =	ssyncadd.s32 @!p0 s1  }
0x201: {  	[bflag:$0x3] =	sbarrier.arrive $0xFFFF  }
0x202: {  	_ =	shalt  }

</sc_bundles>
